<compile_context>
chip_gen: v7x
topology: tpu7x:2x2x1
jax: 0.10.2.dev20260603
libtpu: 0.0.44.dev20260713+nightly
codegen_flags: <defaults>
</compile_context>

<pallas_src>
import functools

import jax
import jax.numpy as jnp
from jax import lax
from jax.experimental import pallas as pl
from jax.experimental.pallas import tpu as pltpu
from jax.experimental.pallas import tpu_sc as plsc

NC, NS, LANES = 2, 16, 16
NW = NC * NS
CHUNK = 128
PAD_ROWS = 8


def _tile_rows(n_nodes, s):
    rows = (n_nodes // NS) // 8 * 8
    rem = n_nodes - NS * rows
    return s * rows, rows, NS * rows, rem


def _zero_init(sp, zeros_hbm, s, n_nodes, extra=0):
    r0, rows, rem0, rem = _tile_rows(n_nodes, s)
    pltpu.sync_copy(zeros_hbm.at[pl.ds(0, rows)], sp.at[pl.ds(r0, rows)])

    @pl.when(s == NS - 1)
    def _():
        pltpu.sync_copy(zeros_hbm.at[pl.ds(0, rem + extra)],
                        sp.at[pl.ds(rem0, rem + extra)])


def _dump(sp, out_hbm, c, s, n_nodes):
    r0, rows, rem0, rem = _tile_rows(n_nodes, s)
    pltpu.sync_copy(sp.at[pl.ds(r0, rows)], out_hbm.at[c, pl.ds(r0, rows)])

    @pl.when(s == NS - 1)
    def _():
        pltpu.sync_copy(sp.at[pl.ds(rem0, rem)],
                        out_hbm.at[c, pl.ds(rem0, rem)])


def _make_deg_kernel(n_nodes, e_pad):
    nch = e_pad // NW // CHUNK
    assert e_pad == nch * CHUNK * NW
    mesh = plsc.VectorSubcoreMesh(core_axis_name="c", subcore_axis_name="s")

    @functools.partial(
        pl.kernel,
        out_type=jax.ShapeDtypeStruct((NC, n_nodes, 128), jnp.float32),
        mesh=mesh,
        scratch_types=[
            pltpu.VMEM((nch, CHUNK), jnp.int32),
            pltpu.VMEM((CHUNK, 128), jnp.float32),
            pltpu.VMEM_SHARED((n_nodes + PAD_ROWS, 128), jnp.float32),
        ],
    )
    def deg_kernel(dst_hbm, zeros_hbm, ones_hbm, out_hbm,
                   didx, ones_v, deg_sp):
        c = lax.axis_index("c")
        s = lax.axis_index("s")
        w = c * NS + s

        _zero_init(deg_sp, zeros_hbm, s, n_nodes, extra=PAD_ROWS)
        pltpu.sync_copy(ones_hbm, ones_v)
        pltpu.sync_copy(dst_hbm.at[pl.ds(w * nch, nch)], didx)
        plsc.subcore_barrier()

        def body(q, _):
            pltpu.sync_copy(ones_v, deg_sp.at[didx.at[q]], add=True)
            return _
        lax.fori_loop(0, nch, body, None)

        plsc.subcore_barrier()
        _dump(deg_sp, out_hbm, c, s, n_nodes)

    return deg_kernel


def _make_agg_kernel(n_nodes, n_edges, feat_split):
    splits = NS if feat_split else NW
    assert n_edges % splits == 0
    ew = n_edges // splits
    n_full, tail = ew // CHUNK, ew % CHUNK
    mesh = plsc.VectorSubcoreMesh(core_axis_name="c", subcore_axis_name="s")

    @functools.partial(
        pl.kernel,
        out_type=jax.ShapeDtypeStruct((NC, n_nodes, 128), jnp.float32),
        mesh=mesh,
        scratch_types=[
            pltpu.VMEM((CHUNK,), jnp.int32),
            pltpu.VMEM((max(tail, 1),), jnp.int32),
            pltpu.VMEM((CHUNK,), jnp.int32),
            pltpu.VMEM((max(tail, 1),), jnp.int32),
            pltpu.VMEM((CHUNK, 128), jnp.float32),
            pltpu.SemaphoreType.DMA,
            pltpu.VMEM_SHARED((n_nodes, 128), jnp.float32),
        ],
    )
    def agg_kernel(tab_hbm, src_hbm, dst_hbm, zeros_hbm, out_hbm,
                   sidx, sidx_t, didx, didx_t, gbuf, sem, agg_sp):
        c = lax.axis_index("c")
        s = lax.axis_index("s")
        base = (s if feat_split else c * NS + s) * ew
        off = c * n_nodes if feat_split else 0

        _zero_init(agg_sp, zeros_hbm, s, n_nodes)
        plsc.subcore_barrier()

        def add_off(ref, count):
            def body(j, _):
                ref[pl.ds(j * LANES, LANES)] = (
                    ref[pl.ds(j * LANES, LANES)] + off)
                return _
            lax.fori_loop(0, count // LANES, body, None)

        def body(q, _):
            e0 = base + q * CHUNK
            pltpu.sync_copy(src_hbm.at[pl.ds(e0, CHUNK)], sidx)
            pltpu.sync_copy(dst_hbm.at[pl.ds(e0, CHUNK)], didx)
            if feat_split:
                add_off(sidx, CHUNK)
            pltpu.async_copy(tab_hbm.at[sidx], gbuf, sem).wait()
            pltpu.sync_copy(gbuf, agg_sp.at[didx], add=True)
            return _
        lax.fori_loop(0, n_full, body, None)
        if tail:
            e0 = base + n_full * CHUNK
            pltpu.sync_copy(src_hbm.at[pl.ds(e0, tail)], sidx_t)
            pltpu.sync_copy(dst_hbm.at[pl.ds(e0, tail)], didx_t)
            if feat_split:
                add_off(sidx_t, tail)
            pltpu.async_copy(tab_hbm.at[sidx_t], gbuf.at[pl.ds(0, tail)],
                             sem).wait()
            pltpu.sync_copy(gbuf.at[pl.ds(0, tail)], agg_sp.at[didx_t],
                            add=True)

        plsc.subcore_barrier()
        _dump(agg_sp, out_hbm, c, s, n_nodes)

    return agg_kernel


def _dis_block(degp):
    deg = 1.0 + degp[0, :, 0] + degp[1, :, 0]
    return lax.rsqrt(deg)


def _mm_body(x_ref, w_ref, z_ref):
    z = jnp.dot(x_ref[...], w_ref[...], preferred_element_type=jnp.float32,
                precision=lax.Precision.HIGHEST)
    z_ref[0] = z[:, :128]
    z_ref[1] = z[:, 128:]


def _scale_body(z_ref, degp_ref, zs_ref):
    dis = _dis_block(degp_ref[...])
    zs_ref[0] = z_ref[0] * dis[:, None]
    zs_ref[1] = z_ref[1] * dis[:, None]


def _mid_body(agg_ref, zsin_ref, degp_ref, w_ref, b_ref, zs2_ref):
    dis = _dis_block(degp_ref[...])
    h0 = jnp.maximum(dis[:, None] * (agg_ref[0] + zsin_ref[0])
                     + b_ref[0, :128][None, :], 0.0)
    h1 = jnp.maximum(dis[:, None] * (agg_ref[1] + zsin_ref[1])
                     + b_ref[0, 128:][None, :], 0.0)
    z2 = (jnp.dot(h0, w_ref[:128, :], preferred_element_type=jnp.float32,
                  precision=lax.Precision.HIGHEST)
          + jnp.dot(h1, w_ref[128:, :], preferred_element_type=jnp.float32,
                    precision=lax.Precision.HIGHEST))
    zs2_ref[...] = z2 * dis[:, None]


def _post_body(agg_ref, zs2_ref, degp_ref, b_ref, out_ref):
    dis = _dis_block(degp_ref[...])
    tot = agg_ref[0] + agg_ref[1] + zs2_ref[...]
    out_ref[...] = dis[:, None] * tot + b_ref[0][None, :]


def kernel(x, edge_index, W1, b1, W2, b2):
    n, in_ch = x.shape
    hid = W1.shape[1]
    out_ch = W2.shape[1]
    e = edge_index.shape[1]
    assert hid == 256 and out_ch == 128 and in_ch == 128

    ei = edge_index.astype(jnp.int32)
    src, dst = ei[0], ei[1]

    quant = NW * CHUNK * 2
    e_pad = (e + quant - 1) // quant * quant
    dst_pad = jnp.concatenate([dst, jnp.full((e_pad - e,), n, jnp.int32)])
    dst2 = dst_pad.reshape(e_pad // CHUNK, CHUNK)

    zrows = (n // NS) // 8 * 8
    z128 = jnp.zeros((zrows, 128), jnp.float32)
    ones128 = jnp.ones((CHUNK, 128), jnp.float32)

    degp = _make_deg_kernel(n, e_pad)(dst2, z128, ones128)

    bn = 1000
    grid = (n // bn,)
    degp_spec = pl.BlockSpec((NC, bn, 128), lambda i: (0, i, 0))
    slab_spec = pl.BlockSpec((NC, bn, 128), lambda i: (0, i, 0))

    z1 = pl.pallas_call(
        _mm_body,
        grid=grid,
        in_specs=[
            pl.BlockSpec((bn, in_ch), lambda i: (i, 0)),
            pl.BlockSpec((in_ch, hid), lambda i: (0, 0)),
        ],
        out_specs=slab_spec,
        out_shape=jax.ShapeDtypeStruct((NC, n, 128), jnp.float32),
    )(x, W1)

    zs1 = pl.pallas_call(
        _scale_body,
        grid=grid,
        in_specs=[slab_spec, degp_spec],
        out_specs=slab_spec,
        out_shape=jax.ShapeDtypeStruct((NC, n, 128), jnp.float32),
    )(z1, degp)

    agg1 = _make_agg_kernel(n, e, feat_split=True)(
        zs1.reshape(2 * n, 128), src, dst, z128)

    zs2 = pl.pallas_call(
        _mid_body,
        grid=grid,
        in_specs=[
            slab_spec,
            slab_spec,
            degp_spec,
            pl.BlockSpec((hid, out_ch), lambda i: (0, 0)),
            pl.BlockSpec((1, hid), lambda i: (0, 0)),
        ],
        out_specs=pl.BlockSpec((bn, out_ch), lambda i: (i, 0)),
        out_shape=jax.ShapeDtypeStruct((n, out_ch), jnp.float32),
    )(agg1, zs1, degp, W2, b1.reshape(1, hid))

    agg2 = _make_agg_kernel(n, e, feat_split=False)(zs2, src, dst, z128)

    out = pl.pallas_call(
        _post_body,
        grid=grid,
        in_specs=[
            slab_spec,
            pl.BlockSpec((bn, out_ch), lambda i: (i, 0)),
            degp_spec,
            pl.BlockSpec((1, out_ch), lambda i: (0, 0)),
        ],
        out_specs=pl.BlockSpec((bn, out_ch), lambda i: (i, 0)),
        out_shape=jax.ShapeDtypeStruct((n, out_ch), jnp.float32),
    )(agg2, zs2, degp, b2.reshape(1, out_ch))

    return out

# --- scband reference (transcript-rebuilt; emitter-appended) ---
"""Pipeline reference for scband-encoder-71030169141526 (READ-ONLY COPY).

The authoritative reference and input builder live on the scoring server;
editing this copy changes nothing except your own understanding.
"""

import jax, jax.numpy as jnp
import numpy as np

N_NODES = 10000
N_EDGES = 320000
IN_CH = 128
OUT_CH = 128
HID = 2 * OUT_CH


def setup_inputs(seed: int = 0) -> dict:
    key = jax.random.key(seed)
    k_x, k_ei, k_w1, k_b1, k_w2, k_b2 = jax.random.split(key, 6)
    x = jax.random.normal(k_x, (N_NODES, IN_CH), dtype=jnp.float32)
    edge_index = jax.random.randint(k_ei, (2, N_EDGES), 0, N_NODES, dtype=jnp.int64)
    # Glorot-ish init for GCNConv linear weights + zero bias (PyG default)
    W1 = jax.random.normal(k_w1, (IN_CH, HID), dtype=jnp.float32) * (1.0 / np.sqrt(IN_CH))
    b1 = jnp.zeros((HID,), dtype=jnp.float32)
    W2 = jax.random.normal(k_w2, (HID, OUT_CH), dtype=jnp.float32) * (1.0 / np.sqrt(HID))
    b2 = jnp.zeros((OUT_CH,), dtype=jnp.float32)
    return {"x": x, "edge_index": edge_index, "W1": W1, "b1": b1, "W2": W2, "b2": b2}


def _gcn_norm(edge_index, num_nodes):
    # add self-loops (PyG gcn_norm with add_self_loops=True)
    loops = jnp.arange(num_nodes, dtype=edge_index.dtype)
    src = jnp.concatenate([edge_index[0], loops])
    dst = jnp.concatenate([edge_index[1], loops])
    ones = jnp.ones(src.shape[0], dtype=jnp.float32)
    deg = jax.ops.segment_sum(ones, dst, num_segments=num_nodes)
    deg_inv_sqrt = jnp.where(deg > 0, 1.0 / jnp.sqrt(deg), 0.0)
    norm = deg_inv_sqrt[src] * deg_inv_sqrt[dst]
    return src, dst, norm


def _gcn_conv(x, src, dst, norm, W, b, num_nodes):
    h = x @ W  # linear transform first (smaller message dim pattern)
    msg = h[src] * norm[:, None]  # gather + per-edge scale
    agg = jax.ops.segment_sum(msg, dst, num_segments=num_nodes)  # scatter-add
    return agg + b


def reference(x, edge_index, W1, b1, W2, b2):
    num_nodes = x.shape[0]
    src, dst, norm = _gcn_norm(edge_index, num_nodes)
    h = _gcn_conv(x, src, dst, norm, W1, b1, num_nodes)
    h = jax.nn.relu(h)
    out = _gcn_conv(h, src, dst, norm, W2, b2, num_nodes)
    return out

if __name__ == "__main__":
    import jax
    _d = setup_inputs()
    print(jax.jit(kernel)(*tuple(_d.values())))

</pallas_src>

<mosaic_0001>
#map = affine_map<(d0, d1) -> (0, 0)>
#map1 = affine_map<(d0, d1) -> (0, 0, 0)>
module attributes {stable_mosaic.version = 14 : i64} {
  func.func @deg_kernel(%arg0: i32, %arg1: i32, %arg2: memref<2560x128xi32, #tpu.memory_space<hbm>>, %arg3: memref<624x128xf32, #tpu.memory_space<hbm>>, %arg4: memref<128x128xf32, #tpu.memory_space<hbm>>, %arg5: memref<2x10000x128xf32, #tpu.memory_space<hbm>>, %arg6: memref<80x128xi32, #tpu.memory_space<vmem>>, %arg7: memref<128x128xf32, #tpu.memory_space<vmem>>, %arg8: memref<10008x128xf32, #tpu.memory_space<vmem_shared>>) attributes {dimension_semantics = [#tpu.dimension_semantics<core_parallel>, #tpu.dimension_semantics<subcore_parallel>], iteration_bounds = array<i64: 2, 16>, scalar_prefetch = 0 : i64, scratch_operands = 3 : i64, tpu.core_type = #tpu.core_type<sc_vector_subcore>, window_params = [{transform_indices = #map}, {transform_indices = #map}, {transform_indices = #map}, {transform_indices = #map1}]} {
    %mul3A = arith.constant 16 : i32
    %mul3A_0 = arith.muli %arg0, %mul3A : i32
    %add3A = arith.addi %mul3A_0, %arg1 : i32
    %mul3A_1 = arith.constant 624 : i32
    %mul3A_2 = arith.muli %arg1, %mul3A_1 : i32
    "tpu.region"() ({
      %run_scoped3A = tpu.sem_alloc : memref<!tpu.dma_semaphore, #tpu.memory_space<semaphore_mem>>
      %dma_start3A = arith.constant 0 : i32
      %dma_start3A_19 = tpu.memref_slice %arg8[%mul3A_2, %dma_start3A] : memref<10008x128xf32, #tpu.memory_space<vmem_shared>> -> memref<624x128xf32, #tpu.memory_space<vmem_shared>>
      %dma_start3A_20 = arith.constant 0 : i32
      %dma_start3A_21 = arith.constant 0 : i32
      %dma_start3A_22 = tpu.memref_slice %arg3[%dma_start3A_20, %dma_start3A_21] : memref<624x128xf32, #tpu.memory_space<hbm>> -> memref<624x128xf32, #tpu.memory_space<hbm>>
      tpu.enqueue_dma source(%dma_start3A_22 : memref<624x128xf32, #tpu.memory_space<hbm>>) target(%dma_start3A_19 : memref<624x128xf32, #tpu.memory_space<vmem_shared>>) target_semaphore(%run_scoped3A : memref<!tpu.dma_semaphore, #tpu.memory_space<semaphore_mem>>)
      %dma_wait3A = arith.constant 0 : i32
      %dma_wait3A_23 = tpu.memref_slice %arg8[%mul3A_2, %dma_wait3A] : memref<10008x128xf32, #tpu.memory_space<vmem_shared>> -> memref<624x128xf32, #tpu.memory_space<vmem_shared>>
      %dma_wait3A_24 = arith.constant 0 : i32
      %dma_wait3A_25 = arith.constant 0 : i32
      %dma_wait3A_26 = tpu.memref_slice %arg3[%dma_wait3A_24, %dma_wait3A_25] : memref<624x128xf32, #tpu.memory_space<hbm>> -> memref<624x128xf32, #tpu.memory_space<hbm>>
      tpu.wait_dma2 semaphore(%run_scoped3A : memref<!tpu.dma_semaphore, #tpu.memory_space<semaphore_mem>>) src(%dma_wait3A_26 : memref<624x128xf32, #tpu.memory_space<hbm>>) dst(%dma_wait3A_23 : memref<624x128xf32, #tpu.memory_space<vmem_shared>>)
      tpu.yield
    }) : () -> ()
    %eq3A = arith.constant 15 : i32
    %eq3A_3 = arith.cmpi eq, %arg1, %eq3A : i32
    %convert_element_type3A = arith.extui %eq3A_3 : i1 to i32
    %cond3A = arith.constant 0 : i32
    %cond3A_4 = arith.cmpi ne, %convert_element_type3A, %cond3A : i32
    scf.if %cond3A_4 {
      "tpu.region"() ({
        %run_scoped3A = tpu.sem_alloc : memref<!tpu.dma_semaphore, #tpu.memory_space<semaphore_mem>>
        %dma_start3A = arith.constant 9984 : i32
        %dma_start3A_19 = arith.constant 0 : i32
        %dma_start3A_20 = tpu.memref_slice %arg8[%dma_start3A, %dma_start3A_19] : memref<10008x128xf32, #tpu.memory_space<vmem_shared>> -> memref<24x128xf32, #tpu.memory_space<vmem_shared>>
        %dma_start3A_21 = arith.constant 0 : i32
        %dma_start3A_22 = arith.constant 0 : i32
        %dma_start3A_23 = tpu.memref_slice %arg3[%dma_start3A_21, %dma_start3A_22] : memref<624x128xf32, #tpu.memory_space<hbm>> -> memref<24x128xf32, #tpu.memory_space<hbm>>
        tpu.enqueue_dma source(%dma_start3A_23 : memref<24x128xf32, #tpu.memory_space<hbm>>) target(%dma_start3A_20 : memref<24x128xf32, #tpu.memory_space<vmem_shared>>) target_semaphore(%run_scoped3A : memref<!tpu.dma_semaphore, #tpu.memory_space<semaphore_mem>>)
        %dma_wait3A = arith.constant 9984 : i32
        %dma_wait3A_24 = arith.constant 0 : i32
        %dma_wait3A_25 = tpu.memref_slice %arg8[%dma_wait3A, %dma_wait3A_24] : memref<10008x128xf32, #tpu.memory_space<vmem_shared>> -> memref<24x128xf32, #tpu.memory_space<vmem_shared>>
        %dma_wait3A_26 = arith.constant 0 : i32
        %dma_wait3A_27 = arith.constant 0 : i32
        %dma_wait3A_28 = tpu.memref_slice %arg3[%dma_wait3A_26, %dma_wait3A_27] : memref<624x128xf32, #tpu.memory_space<hbm>> -> memref<24x128xf32, #tpu.memory_space<hbm>>
        tpu.wait_dma2 semaphore(%run_scoped3A : memref<!tpu.dma_semaphore, #tpu.memory_space<semaphore_mem>>) src(%dma_wait3A_28 : memref<24x128xf32, #tpu.memory_space<hbm>>) dst(%dma_wait3A_25 : memref<24x128xf32, #tpu.memory_space<vmem_shared>>)
        tpu.yield
      }) : () -> ()
    } else {
    }
    "tpu.region"() ({
      %run_scoped3A = tpu.sem_alloc : memref<!tpu.dma_semaphore, #tpu.memory_space<semaphore_mem>>
      tpu.enqueue_dma source(%arg4 : memref<128x128xf32, #tpu.memory_space<hbm>>) target(%arg7 : memref<128x128xf32, #tpu.memory_space<vmem>>) target_semaphore(%run_scoped3A : memref<!tpu.dma_semaphore, #tpu.memory_space<semaphore_mem>>)
      tpu.wait_dma2 semaphore(%run_scoped3A : memref<!tpu.dma_semaphore, #tpu.memory_space<semaphore_mem>>) src(%arg4 : memref<128x128xf32, #tpu.memory_space<hbm>>) dst(%arg7 : memref<128x128xf32, #tpu.memory_space<vmem>>)
      tpu.yield
    }) : () -> ()
    %mul3A_5 = arith.constant 80 : i32
    %mul3A_6 = arith.muli %add3A, %mul3A_5 : i32
    "tpu.region"() ({
      %run_scoped3A = tpu.sem_alloc : memref<!tpu.dma_semaphore, #tpu.memory_space<semaphore_mem>>
      %dma_start3A = arith.constant 0 : i32
      %dma_start3A_19 = tpu.memref_slice %arg2[%mul3A_6, %dma_start3A] : memref<2560x128xi32, #tpu.memory_space<hbm>> -> memref<80x128xi32, #tpu.memory_space<hbm>>
      %dma_start3A_20 = arith.constant 0 : i32
      %dma_start3A_21 = tpu.memref_slice %arg2[%mul3A_6, %dma_start3A_20] : memref<2560x128xi32, #tpu.memory_space<hbm>> -> memref<80x128xi32, #tpu.memory_space<hbm>>
      tpu.enqueue_dma source(%dma_start3A_21 : memref<80x128xi32, #tpu.memory_space<hbm>>) target(%arg6 : memref<80x128xi32, #tpu.memory_space<vmem>>) target_semaphore(%run_scoped3A : memref<!tpu.dma_semaphore, #tpu.memory_space<semaphore_mem>>)
      %dma_wait3A = arith.constant 0 : i32
      %dma_wait3A_22 = tpu.memref_slice %arg2[%mul3A_6, %dma_wait3A] : memref<2560x128xi32, #tpu.memory_space<hbm>> -> memref<80x128xi32, #tpu.memory_space<hbm>>
      %dma_wait3A_23 = arith.constant 0 : i32
      %dma_wait3A_24 = tpu.memref_slice %arg2[%mul3A_6, %dma_wait3A_23] : memref<2560x128xi32, #tpu.memory_space<hbm>> -> memref<80x128xi32, #tpu.memory_space<hbm>>
      tpu.wait_dma2 semaphore(%run_scoped3A : memref<!tpu.dma_semaphore, #tpu.memory_space<semaphore_mem>>) src(%dma_wait3A_24 : memref<80x128xi32, #tpu.memory_space<hbm>>) dst(%arg6 : memref<80x128xi32, #tpu.memory_space<vmem>>)
      tpu.yield
    }) : () -> ()
    %barrier3A = arith.constant 0 : index
    tpu.barrier barrier_id(%barrier3A)
    %scan3A = arith.constant 0 : i32
    %scan3A_7 = arith.constant 80 : i32
    %scan3A_8 = arith.addi %scan3A, %scan3A_7 : i32
    %scan3A_9 = arith.constant 1 : i32
    scf.for %scan3A_19 = %scan3A to %scan3A_8 step %scan3A_9  : i32 {
      "tpu.region"() ({
        %run_scoped3A = tpu.sem_alloc : memref<!tpu.dma_semaphore, #tpu.memory_space<semaphore_mem>>
        %dma_start3A = arith.constant 0 : i32
        %dma_start3A_20 = tpu.memref_slice %arg6[%scan3A_19, %dma_start3A] : memref<80x128xi32, #tpu.memory_space<vmem>> -> memref<1x128xi32, #tpu.memory_space<vmem>>
        %dma_start3A_21 = tpu.memref_squeeze %dma_start3A_20 : memref<1x128xi32, #tpu.memory_space<vmem>> -> memref<128xi32, #tpu.memory_space<vmem>>
        %dma_start3A_22 = arith.constant 0 : i32
        %dma_start3A_23 = arith.constant 0 : i32
        %dma_start3A_24 = tpu.memref_slice %arg8[%dma_start3A_22, %dma_start3A_23] : memref<10008x128xf32, #tpu.memory_space<vmem_shared>> -> memref<10008x128xf32, #tpu.memory_space<vmem_shared>>
        tpu.enqueue_indirect_dma source(%arg7 : memref<128x128xf32, #tpu.memory_space<vmem>>) target(%dma_start3A_24 : memref<10008x128xf32, #tpu.memory_space<vmem_shared>>) offsets(%dma_start3A_21 : memref<128xi32, #tpu.memory_space<vmem>>) semaphore(%run_scoped3A : memref<!tpu.dma_semaphore, #tpu.memory_space<semaphore_mem>>) {add = true}
        %dma_wait3A = arith.constant 0 : i32
        %dma_wait3A_25 = tpu.memref_slice %arg6[%scan3A_19, %dma_wait3A] : memref<80x128xi32, #tpu.memory_space<vmem>> -> memref<1x128xi32, #tpu.memory_space<vmem>>
        %dma_wait3A_26 = tpu.memref_squeeze %dma_wait3A_25 : memref<1x128xi32, #tpu.memory_space<vmem>> -> memref<128xi32, #tpu.memory_space<vmem>>
        %dma_wait3A_27 = arith.constant 0 : i32
        %dma_wait3A_28 = arith.constant 0 : i32
        %dma_wait3A_29 = tpu.memref_slice %arg8[%dma_wait3A_27, %dma_wait3A_28] : memref<10008x128xf32, #tpu.memory_space<vmem_shared>> -> memref<10008x128xf32, #tpu.memory_space<vmem_shared>>
        tpu.wait_indirect_dma semaphore(%run_scoped3A : memref<!tpu.dma_semaphore, #tpu.memory_space<semaphore_mem>>) src(%arg7 : memref<128x128xf32, #tpu.memory_space<vmem>>) dst(%dma_wait3A_29 : memref<10008x128xf32, #tpu.memory_space<vmem_shared>>)
        tpu.yield
      }) : () -> ()
    }
    %scan3A_10 = arith.constant 80 : i32
    %barrier3A_11 = arith.constant 0 : index
    tpu.barrier barrier_id(%barrier3A_11)
    %mul3A_12 = arith.constant 624 : i32
    %mul3A_13 = arith.muli %arg1, %mul3A_12 : i32
    "tpu.region"() ({
      %run_scoped3A = tpu.sem_alloc : memref<!tpu.dma_semaphore, #tpu.memory_space<semaphore_mem>>
      %dma_start3A = arith.constant 0 : i32
      %dma_start3A_19 = tpu.memref_slice %arg5[%arg0, %mul3A_13, %dma_start3A] : memref<2x10000x128xf32, #tpu.memory_space<hbm>> -> memref<1x624x128xf32, #tpu.memory_space<hbm>>
      %dma_start3A_20 = tpu.memref_squeeze %dma_start3A_19 : memref<1x624x128xf32, #tpu.memory_space<hbm>> -> memref<624x128xf32, #tpu.memory_space<hbm>>
      %dma_start3A_21 = arith.constant 0 : i32
      %dma_start3A_22 = tpu.memref_slice %arg8[%mul3A_13, %dma_start3A_21] : memref<10008x128xf32, #tpu.memory_space<vmem_shared>> -> memref<624x128xf32, #tpu.memory_space<vmem_shared>>
      tpu.enqueue_dma source(%dma_start3A_22 : memref<624x128xf32, #tpu.memory_space<vmem_shared>>) target(%dma_start3A_20 : memref<624x128xf32, #tpu.memory_space<hbm>>) target_semaphore(%run_scoped3A : memref<!tpu.dma_semaphore, #tpu.memory_space<semaphore_mem>>)
      %dma_wait3A = arith.constant 0 : i32
      %dma_wait3A_23 = tpu.memref_slice %arg5[%arg0, %mul3A_13, %dma_wait3A] : memref<2x10000x128xf32, #tpu.memory_space<hbm>> -> memref<1x624x128xf32, #tpu.memory_space<hbm>>
      %dma_wait3A_24 = tpu.memref_squeeze %dma_wait3A_23 : memref<1x624x128xf32, #tpu.memory_space<hbm>> -> memref<624x128xf32, #tpu.memory_space<hbm>>
      %dma_wait3A_25 = arith.constant 0 : i32
      %dma_wait3A_26 = tpu.memref_slice %arg8[%mul3A_13, %dma_wait3A_25] : memref<10008x128xf32, #tpu.memory_space<vmem_shared>> -> memref<624x128xf32, #tpu.memory_space<vmem_shared>>
      tpu.wait_dma2 semaphore(%run_scoped3A : memref<!tpu.dma_semaphore, #tpu.memory_space<semaphore_mem>>) src(%dma_wait3A_26 : memref<624x128xf32, #tpu.memory_space<vmem_shared>>) dst(%dma_wait3A_24 : memref<624x128xf32, #tpu.memory_space<hbm>>)
      tpu.yield
    }) : () -> ()
    %eq3A_14 = arith.constant 15 : i32
    %eq3A_15 = arith.cmpi eq, %arg1, %eq3A_14 : i32
    %convert_element_type3A_16 = arith.extui %eq3A_15 : i1 to i32
    %cond3A_17 = arith.constant 0 : i32
    %cond3A_18 = arith.cmpi ne, %convert_element_type3A_16, %cond3A_17 : i32
    scf.if %cond3A_18 {
      "tpu.region"() ({
        %run_scoped3A = tpu.sem_alloc : memref<!tpu.dma_semaphore, #tpu.memory_space<semaphore_mem>>
        %dma_start3A = arith.constant 9984 : i32
        %dma_start3A_19 = arith.constant 0 : i32
        %dma_start3A_20 = tpu.memref_slice %arg5[%arg0, %dma_start3A, %dma_start3A_19] : memref<2x10000x128xf32, #tpu.memory_space<hbm>> -> memref<1x16x128xf32, #tpu.memory_space<hbm>>
        %dma_start3A_21 = tpu.memref_squeeze %dma_start3A_20 : memref<1x16x128xf32, #tpu.memory_space<hbm>> -> memref<16x128xf32, #tpu.memory_space<hbm>>
        %dma_start3A_22 = arith.constant 9984 : i32
        %dma_start3A_23 = arith.constant 0 : i32
        %dma_start3A_24 = tpu.memref_slice %arg8[%dma_start3A_22, %dma_start3A_23] : memref<10008x128xf32, #tpu.memory_space<vmem_shared>> -> memref<16x128xf32, #tpu.memory_space<vmem_shared>>
        tpu.enqueue_dma source(%dma_start3A_24 : memref<16x128xf32, #tpu.memory_space<vmem_shared>>) target(%dma_start3A_21 : memref<16x128xf32, #tpu.memory_space<hbm>>) target_semaphore(%run_scoped3A : memref<!tpu.dma_semaphore, #tpu.memory_space<semaphore_mem>>)
        %dma_wait3A = arith.constant 9984 : i32
        %dma_wait3A_25 = arith.constant 0 : i32
        %dma_wait3A_26 = tpu.memref_slice %arg5[%arg0, %dma_wait3A, %dma_wait3A_25] : memref<2x10000x128xf32, #tpu.memory_space<hbm>> -> memref<1x16x128xf32, #tpu.memory_space<hbm>>
        %dma_wait3A_27 = tpu.memref_squeeze %dma_wait3A_26 : memref<1x16x128xf32, #tpu.memory_space<hbm>> -> memref<16x128xf32, #tpu.memory_space<hbm>>
        %dma_wait3A_28 = arith.constant 9984 : i32
        %dma_wait3A_29 = arith.constant 0 : i32
        %dma_wait3A_30 = tpu.memref_slice %arg8[%dma_wait3A_28, %dma_wait3A_29] : memref<10008x128xf32, #tpu.memory_space<vmem_shared>> -> memref<16x128xf32, #tpu.memory_space<vmem_shared>>
        tpu.wait_dma2 semaphore(%run_scoped3A : memref<!tpu.dma_semaphore, #tpu.memory_space<semaphore_mem>>) src(%dma_wait3A_30 : memref<16x128xf32, #tpu.memory_space<vmem_shared>>) dst(%dma_wait3A_27 : memref<16x128xf32, #tpu.memory_space<hbm>>)
        tpu.yield
      }) : () -> ()
    } else {
    }
    return
  }
}

#map = affine_map<(d0, d1) -> (0, 0)>
#map1 = affine_map<(d0, d1) -> (0)>
#map2 = affine_map<(d0, d1) -> (0, 0, 0)>
module attributes {stable_mosaic.version = 14 : i64} {
  func.func @agg_kernel(%arg0: i32, %arg1: i32, %arg2: memref<10000x128xf32, #tpu.memory_space<hbm>>, %arg3: memref<320000xi32, #tpu.memory_space<hbm>>, %arg4: memref<320000xi32, #tpu.memory_space<hbm>>, %arg5: memref<624x128xf32, #tpu.memory_space<hbm>>, %arg6: memref<2x10000x128xf32, #tpu.memory_space<hbm>>, %arg7: memref<128xi32, #tpu.memory_space<vmem>>, %arg8: memref<16xi32, #tpu.memory_space<vmem>>, %arg9: memref<128xi32, #tpu.memory_space<vmem>>, %arg10: memref<16xi32, #tpu.memory_space<vmem>>, %arg11: memref<128x128xf32, #tpu.memory_space<vmem>>, %arg12: memref<!tpu.dma_semaphore, #tpu.memory_space<semaphore_mem>>, %arg13: memref<10000x128xf32, #tpu.memory_space<vmem_shared>>) attributes {dimension_semantics = [#tpu.dimension_semantics<core_parallel>, #tpu.dimension_semantics<subcore_parallel>], iteration_bounds = array<i64: 2, 16>, scalar_prefetch = 0 : i64, scratch_operands = 7 : i64, tpu.core_type = #tpu.core_type<sc_vector_subcore>, window_params = [{transform_indices = #map}, {transform_indices = #map1}, {transform_indices = #map1}, {transform_indices = #map}, {transform_indices = #map2}]} {
    %mul3A = arith.constant 16 : i32
    %mul3A_0 = arith.muli %arg0, %mul3A : i32
    %add3A = arith.addi %mul3A_0, %arg1 : i32
    %mul3A_1 = arith.constant 10000 : i32
    %mul3A_2 = arith.muli %add3A, %mul3A_1 : i32
    %mul3A_3 = arith.constant 624 : i32
    %mul3A_4 = arith.muli %arg1, %mul3A_3 : i32
    "tpu.region"() ({
      %run_scoped3A = tpu.sem_alloc : memref<!tpu.dma_semaphore, #tpu.memory_space<semaphore_mem>>
      %dma_start3A_31 = arith.constant 0 : i32
      %dma_start3A_32 = tpu.memref_slice %arg13[%mul3A_4, %dma_start3A_31] : memref<10000x128xf32, #tpu.memory_space<vmem_shared>> -> memref<624x128xf32, #tpu.memory_space<vmem_shared>>
      %dma_start3A_33 = arith.constant 0 : i32
      %dma_start3A_34 = arith.constant 0 : i32
      %dma_start3A_35 = tpu.memref_slice %arg5[%dma_start3A_33, %dma_start3A_34] : memref<624x128xf32, #tpu.memory_space<hbm>> -> memref<624x128xf32, #tpu.memory_space<hbm>>
      tpu.enqueue_dma source(%dma_start3A_35 : memref<624x128xf32, #tpu.memory_space<hbm>>) target(%dma_start3A_32 : memref<624x128xf32, #tpu.memory_space<vmem_shared>>) target_semaphore(%run_scoped3A : memref<!tpu.dma_semaphore, #tpu.memory_space<semaphore_mem>>)
      %dma_wait3A_36 = arith.constant 0 : i32
      %dma_wait3A_37 = tpu.memref_slice %arg13[%mul3A_4, %dma_wait3A_36] : memref<10000x128xf32, #tpu.memory_space<vmem_shared>> -> memref<624x128xf32, #tpu.memory_space<vmem_shared>>
      %dma_wait3A_38 = arith.constant 0 : i32
      %dma_wait3A_39 = arith.constant 0 : i32
      %dma_wait3A_40 = tpu.memref_slice %arg5[%dma_wait3A_38, %dma_wait3A_39] : memref<624x128xf32, #tpu.memory_space<hbm>> -> memref<624x128xf32, #tpu.memory_space<hbm>>
      tpu.wait_dma2 semaphore(%run_scoped3A : memref<!tpu.dma_semaphore, #tpu.memory_space<semaphore_mem>>) src(%dma_wait3A_40 : memref<624x128xf32, #tpu.memory_space<hbm>>) dst(%dma_wait3A_37 : memref<624x128xf32, #tpu.memory_space<vmem_shared>>)
      tpu.yield
    }) : () -> ()
    %eq3A = arith.constant 15 : i32
    %eq3A_5 = arith.cmpi eq, %arg1, %eq3A : i32
    %convert_element_type3A = arith.extui %eq3A_5 : i1 to i32
    %cond3A = arith.constant 0 : i32
    %cond3A_6 = arith.cmpi ne, %convert_element_type3A, %cond3A : i32
    scf.if %cond3A_6 {
      "tpu.region"() ({
        %run_scoped3A = tpu.sem_alloc : memref<!tpu.dma_semaphore, #tpu.memory_space<semaphore_mem>>
        %dma_start3A_31 = arith.constant 9984 : i32
        %dma_start3A_32 = arith.constant 0 : i32
        %dma_start3A_33 = tpu.memref_slice %arg13[%dma_start3A_31, %dma_start3A_32] : memref<10000x128xf32, #tpu.memory_space<vmem_shared>> -> memref<16x128xf32, #tpu.memory_space<vmem_shared>>
        %dma_start3A_34 = arith.constant 0 : i32
        %dma_start3A_35 = arith.constant 0 : i32
        %dma_start3A_36 = tpu.memref_slice %arg5[%dma_start3A_34, %dma_start3A_35] : memref<624x128xf32, #tpu.memory_space<hbm>> -> memref<16x128xf32, #tpu.memory_space<hbm>>
        tpu.enqueue_dma source(%dma_start3A_36 : memref<16x128xf32, #tpu.memory_space<hbm>>) target(%dma_start3A_33 : memref<16x128xf32, #tpu.memory_space<vmem_shared>>) target_semaphore(%run_scoped3A : memref<!tpu.dma_semaphore, #tpu.memory_space<semaphore_mem>>)
        %dma_wait3A_37 = arith.constant 9984 : i32
        %dma_wait3A_38 = arith.constant 0 : i32
        %dma_wait3A_39 = tpu.memref_slice %arg13[%dma_wait3A_37, %dma_wait3A_38] : memref<10000x128xf32, #tpu.memory_space<vmem_shared>> -> memref<16x128xf32, #tpu.memory_space<vmem_shared>>
        %dma_wait3A_40 = arith.constant 0 : i32
        %dma_wait3A_41 = arith.constant 0 : i32
        %dma_wait3A_42 = tpu.memref_slice %arg5[%dma_wait3A_40, %dma_wait3A_41] : memref<624x128xf32, #tpu.memory_space<hbm>> -> memref<16x128xf32, #tpu.memory_space<hbm>>
        tpu.wait_dma2 semaphore(%run_scoped3A : memref<!tpu.dma_semaphore, #tpu.memory_space<semaphore_mem>>) src(%dma_wait3A_42 : memref<16x128xf32, #tpu.memory_space<hbm>>) dst(%dma_wait3A_39 : memref<16x128xf32, #tpu.memory_space<vmem_shared>>)
        tpu.yield
      }) : () -> ()
    } else {
    }
    %barrier3A = arith.constant 0 : index
    tpu.barrier barrier_id(%barrier3A)
    %scan3A = arith.constant 0 : i32
    %scan3A_7 = arith.constant 78 : i32
    %scan3A_8 = arith.addi %scan3A, %scan3A_7 : i32
    %scan3A_9 = arith.constant 1 : i32
    scf.for %scan3A_31 = %scan3A to %scan3A_8 step %scan3A_9  : i32 {
      %mul3A_32 = arith.constant 128 : i32
      %mul3A_33 = arith.muli %scan3A_31, %mul3A_32 : i32
      %add3A_34 = arith.addi %mul3A_2, %mul3A_33 : i32
      "tpu.region"() ({
        %run_scoped3A = tpu.sem_alloc : memref<!tpu.dma_semaphore, #tpu.memory_space<semaphore_mem>>
        %dma_start3A_41 = tpu.memref_slice %arg3[%add3A_34] : memref<320000xi32, #tpu.memory_space<hbm>> -> memref<128xi32, #tpu.memory_space<hbm>>
        %dma_start3A_42 = tpu.memref_slice %arg3[%add3A_34] : memref<320000xi32, #tpu.memory_space<hbm>> -> memref<128xi32, #tpu.memory_space<hbm>>
        tpu.enqueue_dma source(%dma_start3A_42 : memref<128xi32, #tpu.memory_space<hbm>>) target(%arg7 : memref<128xi32, #tpu.memory_space<vmem>>) target_semaphore(%run_scoped3A : memref<!tpu.dma_semaphore, #tpu.memory_space<semaphore_mem>>)
        %dma_wait3A_43 = tpu.memref_slice %arg3[%add3A_34] : memref<320000xi32, #tpu.memory_space<hbm>> -> memref<128xi32, #tpu.memory_space<hbm>>
        %dma_wait3A_44 = tpu.memref_slice %arg3[%add3A_34] : memref<320000xi32, #tpu.memory_space<hbm>> -> memref<128xi32, #tpu.memory_space<hbm>>
        tpu.wait_dma2 semaphore(%run_scoped3A : memref<!tpu.dma_semaphore, #tpu.memory_space<semaphore_mem>>) src(%dma_wait3A_44 : memref<128xi32, #tpu.memory_space<hbm>>) dst(%arg7 : memref<128xi32, #tpu.memory_space<vmem>>)
        tpu.yield
      }) : () -> ()
      "tpu.region"() ({
        %run_scoped3A = tpu.sem_alloc : memref<!tpu.dma_semaphore, #tpu.memory_space<semaphore_mem>>
        %dma_start3A_41 = tpu.memref_slice %arg4[%add3A_34] : memref<320000xi32, #tpu.memory_space<hbm>> -> memref<128xi32, #tpu.memory_space<hbm>>
        %dma_start3A_42 = tpu.memref_slice %arg4[%add3A_34] : memref<320000xi32, #tpu.memory_space<hbm>> -> memref<128xi32, #tpu.memory_space<hbm>>
        tpu.enqueue_dma source(%dma_start3A_42 : memref<128xi32, #tpu.memory_space<hbm>>) target(%arg9 : memref<128xi32, #tpu.memory_space<vmem>>) target_semaphore(%run_scoped3A : memref<!tpu.dma_semaphore, #tpu.memory_space<semaphore_mem>>)
        %dma_wait3A_43 = tpu.memref_slice %arg4[%add3A_34] : memref<320000xi32, #tpu.memory_space<hbm>> -> memref<128xi32, #tpu.memory_space<hbm>>
        %dma_wait3A_44 = tpu.memref_slice %arg4[%add3A_34] : memref<320000xi32, #tpu.memory_space<hbm>> -> memref<128xi32, #tpu.memory_space<hbm>>
        tpu.wait_dma2 semaphore(%run_scoped3A : memref<!tpu.dma_semaphore, #tpu.memory_space<semaphore_mem>>) src(%dma_wait3A_44 : memref<128xi32, #tpu.memory_space<hbm>>) dst(%arg9 : memref<128xi32, #tpu.memory_space<vmem>>)
        tpu.yield
      }) : () -> ()
      %dma_start3A_35 = arith.constant 0 : i32
      %dma_start3A_36 = arith.constant 0 : i32
      %dma_start3A_37 = tpu.memref_slice %arg2[%dma_start3A_35, %dma_start3A_36] : memref<10000x128xf32, #tpu.memory_space<hbm>> -> memref<10000x128xf32, #tpu.memory_space<hbm>>
      tpu.enqueue_indirect_dma source(%dma_start3A_37 : memref<10000x128xf32, #tpu.memory_space<hbm>>) target(%arg11 : memref<128x128xf32, #tpu.memory_space<vmem>>) offsets(%arg7 : memref<128xi32, #tpu.memory_space<vmem>>) semaphore(%arg12 : memref<!tpu.dma_semaphore, #tpu.memory_space<semaphore_mem>>)
      %dma_wait3A_38 = arith.constant 0 : i32
      %dma_wait3A_39 = arith.constant 0 : i32
      %dma_wait3A_40 = tpu.memref_slice %arg2[%dma_wait3A_38, %dma_wait3A_39] : memref<10000x128xf32, #tpu.memory_space<hbm>> -> memref<10000x128xf32, #tpu.memory_space<hbm>>
      tpu.wait_indirect_dma semaphore(%arg12 : memref<!tpu.dma_semaphore, #tpu.memory_space<semaphore_mem>>) src(%dma_wait3A_40 : memref<10000x128xf32, #tpu.memory_space<hbm>>) dst(%arg11 : memref<128x128xf32, #tpu.memory_space<vmem>>)
      "tpu.region"() ({
        %run_scoped3A = tpu.sem_alloc : memref<!tpu.dma_semaphore, #tpu.memory_space<semaphore_mem>>
        %dma_start3A_41 = arith.constant 0 : i32
        %dma_start3A_42 = arith.constant 0 : i32
        %dma_start3A_43 = tpu.memref_slice %arg13[%dma_start3A_41, %dma_start3A_42] : memref<10000x128xf32, #tpu.memory_space<vmem_shared>> -> memref<10000x128xf32, #tpu.memory_space<vmem_shared>>
        tpu.enqueue_indirect_dma source(%arg11 : memref<128x128xf32, #tpu.memory_space<vmem>>) target(%dma_start3A_43 : memref<10000x128xf32, #tpu.memory_space<vmem_shared>>) offsets(%arg9 : memref<128xi32, #tpu.memory_space<vmem>>) semaphore(%run_scoped3A : memref<!tpu.dma_semaphore, #tpu.memory_space<semaphore_mem>>) {add = true}
        %dma_wait3A_44 = arith.constant 0 : i32
        %dma_wait3A_45 = arith.constant 0 : i32
        %dma_wait3A_46 = tpu.memref_slice %arg13[%dma_wait3A_44, %dma_wait3A_45] : memref<10000x128xf32, #tpu.memory_space<vmem_shared>> -> memref<10000x128xf32, #tpu.memory_space<vmem_shared>>
        tpu.wait_indirect_dma semaphore(%run_scoped3A : memref<!tpu.dma_semaphore, #tpu.memory_space<semaphore_mem>>) src(%arg11 : memref<128x128xf32, #tpu.memory_space<vmem>>) dst(%dma_wait3A_46 : memref<10000x128xf32, #tpu.memory_space<vmem_shared>>)
        tpu.yield
      }) : () -> ()
    }
    %scan3A_10 = arith.constant 78 : i32
    %add3A_11 = arith.constant 9984 : i32
    %add3A_12 = arith.addi %mul3A_2, %add3A_11 : i32
    "tpu.region"() ({
      %run_scoped3A = tpu.sem_alloc : memref<!tpu.dma_semaphore, #tpu.memory_space<semaphore_mem>>
      %dma_start3A_31 = tpu.memref_slice %arg3[%add3A_12] : memref<320000xi32, #tpu.memory_space<hbm>> -> memref<16xi32, #tpu.memory_space<hbm>>
      %dma_start3A_32 = tpu.memref_slice %arg3[%add3A_12] : memref<320000xi32, #tpu.memory_space<hbm>> -> memref<16xi32, #tpu.memory_space<hbm>>
      tpu.enqueue_dma source(%dma_start3A_32 : memref<16xi32, #tpu.memory_space<hbm>>) target(%arg8 : memref<16xi32, #tpu.memory_space<vmem>>) target_semaphore(%run_scoped3A : memref<!tpu.dma_semaphore, #tpu.memory_space<semaphore_mem>>)
      %dma_wait3A_33 = tpu.memref_slice %arg3[%add3A_12] : memref<320000xi32, #tpu.memory_space<hbm>> -> memref<16xi32, #tpu.memory_space<hbm>>
      %dma_wait3A_34 = tpu.memref_slice %arg3[%add3A_12] : memref<320000xi32, #tpu.memory_space<hbm>> -> memref<16xi32, #tpu.memory_space<hbm>>
      tpu.wait_dma2 semaphore(%run_scoped3A : memref<!tpu.dma_semaphore, #tpu.memory_space<semaphore_mem>>) src(%dma_wait3A_34 : memref<16xi32, #tpu.memory_space<hbm>>) dst(%arg8 : memref<16xi32, #tpu.memory_space<vmem>>)
      tpu.yield
    }) : () -> ()
    "tpu.region"() ({
      %run_scoped3A = tpu.sem_alloc : memref<!tpu.dma_semaphore, #tpu.memory_space<semaphore_mem>>
      %dma_start3A_31 = tpu.memref_slice %arg4[%add3A_12] : memref<320000xi32, #tpu.memory_space<hbm>> -> memref<16xi32, #tpu.memory_space<hbm>>
      %dma_start3A_32 = tpu.memref_slice %arg4[%add3A_12] : memref<320000xi32, #tpu.memory_space<hbm>> -> memref<16xi32, #tpu.memory_space<hbm>>
      tpu.enqueue_dma source(%dma_start3A_32 : memref<16xi32, #tpu.memory_space<hbm>>) target(%arg10 : memref<16xi32, #tpu.memory_space<vmem>>) target_semaphore(%run_scoped3A : memref<!tpu.dma_semaphore, #tpu.memory_space<semaphore_mem>>)
      %dma_wait3A_33 = tpu.memref_slice %arg4[%add3A_12] : memref<320000xi32, #tpu.memory_space<hbm>> -> memref<16xi32, #tpu.memory_space<hbm>>
      %dma_wait3A_34 = tpu.memref_slice %arg4[%add3A_12] : memref<320000xi32, #tpu.memory_space<hbm>> -> memref<16xi32, #tpu.memory_space<hbm>>
      tpu.wait_dma2 semaphore(%run_scoped3A : memref<!tpu.dma_semaphore, #tpu.memory_space<semaphore_mem>>) src(%dma_wait3A_34 : memref<16xi32, #tpu.memory_space<hbm>>) dst(%arg10 : memref<16xi32, #tpu.memory_space<vmem>>)
      tpu.yield
    }) : () -> ()
    %dma_start3A = arith.constant 0 : i32
    %dma_start3A_13 = arith.constant 0 : i32
    %dma_start3A_14 = tpu.memref_slice %arg11[%dma_start3A, %dma_start3A_13] : memref<128x128xf32, #tpu.memory_space<vmem>> -> memref<16x128xf32, #tpu.memory_space<vmem>>
    %dma_start3A_15 = arith.constant 0 : i32
    %dma_start3A_16 = arith.constant 0 : i32
    %dma_start3A_17 = tpu.memref_slice %arg2[%dma_start3A_15, %dma_start3A_16] : memref<10000x128xf32, #tpu.memory_space<hbm>> -> memref<10000x128xf32, #tpu.memory_space<hbm>>
    tpu.enqueue_indirect_dma source(%dma_start3A_17 : memref<10000x128xf32, #tpu.memory_space<hbm>>) target(%dma_start3A_14 : memref<16x128xf32, #tpu.memory_space<vmem>>) offsets(%arg8 : memref<16xi32, #tpu.memory_space<vmem>>) semaphore(%arg12 : memref<!tpu.dma_semaphore, #tpu.memory_space<semaphore_mem>>)
    %dma_wait3A = arith.constant 0 : i32
    %dma_wait3A_18 = arith.constant 0 : i32
    %dma_wait3A_19 = tpu.memref_slice %arg11[%dma_wait3A, %dma_wait3A_18] : memref<128x128xf32, #tpu.memory_space<vmem>> -> memref<16x128xf32, #tpu.memory_space<vmem>>
    %dma_wait3A_20 = arith.constant 0 : i32
    %dma_wait3A_21 = arith.constant 0 : i32
    %dma_wait3A_22 = tpu.memref_slice %arg2[%dma_wait3A_20, %dma_wait3A_21] : memref<10000x128xf32, #tpu.memory_space<hbm>> -> memref<10000x128xf32, #tpu.memory_space<hbm>>
    tpu.wait_indirect_dma semaphore(%arg12 : memref<!tpu.dma_semaphore, #tpu.memory_space<semaphore_mem>>) src(%dma_wait3A_22 : memref<10000x128xf32, #tpu.memory_space<hbm>>) dst(%dma_wait3A_19 : memref<16x128xf32, #tpu.memory_space<vmem>>)
    "tpu.region"() ({
      %run_scoped3A = tpu.sem_alloc : memref<!tpu.dma_semaphore, #tpu.memory_space<semaphore_mem>>
      %dma_start3A_31 = arith.constant 0 : i32
      %dma_start3A_32 = arith.constant 0 : i32
      %dma_start3A_33 = tpu.memref_slice %arg11[%dma_start3A_31, %dma_start3A_32] : memref<128x128xf32, #tpu.memory_space<vmem>> -> memref<16x128xf32, #tpu.memory_space<vmem>>
      %dma_start3A_34 = arith.constant 0 : i32
      %dma_start3A_35 = arith.constant 0 : i32
      %dma_start3A_36 = tpu.memref_slice %arg13[%dma_start3A_34, %dma_start3A_35] : memref<10000x128xf32, #tpu.memory_space<vmem_shared>> -> memref<10000x128xf32, #tpu.memory_space<vmem_shared>>
      tpu.enqueue_indirect_dma source(%dma_start3A_33 : memref<16x128xf32, #tpu.memory_space<vmem>>) target(%dma_start3A_36 : memref<10000x128xf32, #tpu.memory_space<vmem_shared>>) offsets(%arg10 : memref<16xi32, #tpu.memory_space<vmem>>) semaphore(%run_scoped3A : memref<!tpu.dma_semaphore, #tpu.memory_space<semaphore_mem>>) {add = true}
      %dma_wait3A_37 = arith.constant 0 : i32
      %dma_wait3A_38 = arith.constant 0 : i32
      %dma_wait3A_39 = tpu.memref_slice %arg11[%dma_wait3A_37, %dma_wait3A_38] : memref<128x128xf32, #tpu.memory_space<vmem>> -> memref<16x128xf32, #tpu.memory_space<vmem>>
      %dma_wait3A_40 = arith.constant 0 : i32
      %dma_wait3A_41 = arith.constant 0 : i32
      %dma_wait3A_42 = tpu.memref_slice %arg13[%dma_wait3A_40, %dma_wait3A_41] : memref<10000x128xf32, #tpu.memory_space<vmem_shared>> -> memref<10000x128xf32, #tpu.memory_space<vmem_shared>>
      tpu.wait_indirect_dma semaphore(%run_scoped3A : memref<!tpu.dma_semaphore, #tpu.memory_space<semaphore_mem>>) src(%dma_wait3A_39 : memref<16x128xf32, #tpu.memory_space<vmem>>) dst(%dma_wait3A_42 : memref<10000x128xf32, #tpu.memory_space<vmem_shared>>)
      tpu.yield
    }) : () -> ()
    %barrier3A_23 = arith.constant 0 : index
    tpu.barrier barrier_id(%barrier3A_23)
    %mul3A_24 = arith.constant 624 : i32
    %mul3A_25 = arith.muli %arg1, %mul3A_24 : i32
    "tpu.region"() ({
      %run_scoped3A = tpu.sem_alloc : memref<!tpu.dma_semaphore, #tpu.memory_space<semaphore_mem>>
      %dma_start3A_31 = arith.constant 0 : i32
      %dma_start3A_32 = tpu.memref_slice %arg6[%arg0, %mul3A_25, %dma_start3A_31] : memref<2x10000x128xf32, #tpu.memory_space<hbm>> -> memref<1x624x128xf32, #tpu.memory_space<hbm>>
      %dma_start3A_33 = tpu.memref_squeeze %dma_start3A_32 : memref<1x624x128xf32, #tpu.memory_space<hbm>> -> memref<624x128xf32, #tpu.memory_space<hbm>>
      %dma_start3A_34 = arith.constant 0 : i32
      %dma_start3A_35 = tpu.memref_slice %arg13[%mul3A_25, %dma_start3A_34] : memref<10000x128xf32, #tpu.memory_space<vmem_shared>> -> memref<624x128xf32, #tpu.memory_space<vmem_shared>>
      tpu.enqueue_dma source(%dma_start3A_35 : memref<624x128xf32, #tpu.memory_space<vmem_shared>>) target(%dma_start3A_33 : memref<624x128xf32, #tpu.memory_space<hbm>>) target_semaphore(%run_scoped3A : memref<!tpu.dma_semaphore, #tpu.memory_space<semaphore_mem>>)
      %dma_wait3A_36 = arith.constant 0 : i32
      %dma_wait3A_37 = tpu.memref_slice %arg6[%arg0, %mul3A_25, %dma_wait3A_36] : memref<2x10000x128xf32, #tpu.memory_space<hbm>> -> memref<1x624x128xf32, #tpu.memory_space<hbm>>
      %dma_wait3A_38 = tpu.memref_squeeze %dma_wait3A_37 : memref<1x624x128xf32, #tpu.memory_space<hbm>> -> memref<624x128xf32, #tpu.memory_space<hbm>>
      %dma_wait3A_39 = arith.constant 0 : i32
      %dma_wait3A_40 = tpu.memref_slice %arg13[%mul3A_25, %dma_wait3A_39] : memref<10000x128xf32, #tpu.memory_space<vmem_shared>> -> memref<624x128xf32, #tpu.memory_space<vmem_shared>>
      tpu.wait_dma2 semaphore(%run_scoped3A : memref<!tpu.dma_semaphore, #tpu.memory_space<semaphore_mem>>) src(%dma_wait3A_40 : memref<624x128xf32, #tpu.memory_space<vmem_shared>>) dst(%dma_wait3A_38 : memref<624x128xf32, #tpu.memory_space<hbm>>)
      tpu.yield
    }) : () -> ()
    %eq3A_26 = arith.constant 15 : i32
    %eq3A_27 = arith.cmpi eq, %arg1, %eq3A_26 : i32
    %convert_element_type3A_28 = arith.extui %eq3A_27 : i1 to i32
    %cond3A_29 = arith.constant 0 : i32
    %cond3A_30 = arith.cmpi ne, %convert_element_type3A_28, %cond3A_29 : i32
    scf.if %cond3A_30 {
      "tpu.region"() ({
        %run_scoped3A = tpu.sem_alloc : memref<!tpu.dma_semaphore, #tpu.memory_space<semaphore_mem>>
        %dma_start3A_31 = arith.constant 9984 : i32
        %dma_start3A_32 = arith.constant 0 : i32
        %dma_start3A_33 = tpu.memref_slice %arg6[%arg0, %dma_start3A_31, %dma_start3A_32] : memref<2x10000x128xf32, #tpu.memory_space<hbm>> -> memref<1x16x128xf32, #tpu.memory_space<hbm>>
        %dma_start3A_34 = tpu.memref_squeeze %dma_start3A_33 : memref<1x16x128xf32, #tpu.memory_space<hbm>> -> memref<16x128xf32, #tpu.memory_space<hbm>>
        %dma_start3A_35 = arith.constant 9984 : i32
        %dma_start3A_36 = arith.constant 0 : i32
        %dma_start3A_37 = tpu.memref_slice %arg13[%dma_start3A_35, %dma_start3A_36] : memref<10000x128xf32, #tpu.memory_space<vmem_shared>> -> memref<16x128xf32, #tpu.memory_space<vmem_shared>>
        tpu.enqueue_dma source(%dma_start3A_37 : memref<16x128xf32, #tpu.memory_space<vmem_shared>>) target(%dma_start3A_34 : memref<16x128xf32, #tpu.memory_space<hbm>>) target_semaphore(%run_scoped3A : memref<!tpu.dma_semaphore, #tpu.memory_space<semaphore_mem>>)
        %dma_wait3A_38 = arith.constant 9984 : i32
        %dma_wait3A_39 = arith.constant 0 : i32
        %dma_wait3A_40 = tpu.memref_slice %arg6[%arg0, %dma_wait3A_38, %dma_wait3A_39] : memref<2x10000x128xf32, #tpu.memory_space<hbm>> -> memref<1x16x128xf32, #tpu.memory_space<hbm>>
        %dma_wait3A_41 = tpu.memref_squeeze %dma_wait3A_40 : memref<1x16x128xf32, #tpu.memory_space<hbm>> -> memref<16x128xf32, #tpu.memory_space<hbm>>
        %dma_wait3A_42 = arith.constant 9984 : i32
        %dma_wait3A_43 = arith.constant 0 : i32
        %dma_wait3A_44 = tpu.memref_slice %arg13[%dma_wait3A_42, %dma_wait3A_43] : memref<10000x128xf32, #tpu.memory_space<vmem_shared>> -> memref<16x128xf32, #tpu.memory_space<vmem_shared>>
        tpu.wait_dma2 semaphore(%run_scoped3A : memref<!tpu.dma_semaphore, #tpu.memory_space<semaphore_mem>>) src(%dma_wait3A_44 : memref<16x128xf32, #tpu.memory_space<vmem_shared>>) dst(%dma_wait3A_41 : memref<16x128xf32, #tpu.memory_space<hbm>>)
        tpu.yield
      }) : () -> ()
    } else {
    }
    return
  }
}

#map = affine_map<(d0, d1) -> (0, 0)>
#map1 = affine_map<(d0, d1) -> (0)>
#map2 = affine_map<(d0, d1) -> (0, 0, 0)>
module attributes {stable_mosaic.version = 14 : i64} {
  func.func @agg_kernel(%arg0: i32, %arg1: i32, %arg2: memref<20000x128xf32, #tpu.memory_space<hbm>>, %arg3: memref<320000xi32, #tpu.memory_space<hbm>>, %arg4: memref<320000xi32, #tpu.memory_space<hbm>>, %arg5: memref<624x128xf32, #tpu.memory_space<hbm>>, %arg6: memref<2x10000x128xf32, #tpu.memory_space<hbm>>, %arg7: memref<128xi32, #tpu.memory_space<vmem>>, %arg8: memref<32xi32, #tpu.memory_space<vmem>>, %arg9: memref<128xi32, #tpu.memory_space<vmem>>, %arg10: memref<32xi32, #tpu.memory_space<vmem>>, %arg11: memref<128x128xf32, #tpu.memory_space<vmem>>, %arg12: memref<!tpu.dma_semaphore, #tpu.memory_space<semaphore_mem>>, %arg13: memref<10000x128xf32, #tpu.memory_space<vmem_shared>>) attributes {dimension_semantics = [#tpu.dimension_semantics<core_parallel>, #tpu.dimension_semantics<subcore_parallel>], iteration_bounds = array<i64: 2, 16>, scalar_prefetch = 0 : i64, scratch_operands = 7 : i64, tpu.core_type = #tpu.core_type<sc_vector_subcore>, window_params = [{transform_indices = #map}, {transform_indices = #map1}, {transform_indices = #map1}, {transform_indices = #map}, {transform_indices = #map2}]} {
    %mul3A = arith.constant 20000 : i32
    %mul3A_0 = arith.muli %arg1, %mul3A : i32
    %mul3A_1 = arith.constant 10000 : i32
    %mul3A_2 = arith.muli %arg0, %mul3A_1 : i32
    %mul3A_3 = arith.constant 624 : i32
    %mul3A_4 = arith.muli %arg1, %mul3A_3 : i32
    "tpu.region"() ({
      %run_scoped3A = tpu.sem_alloc : memref<!tpu.dma_semaphore, #tpu.memory_space<semaphore_mem>>
      %dma_start3A_35 = arith.constant 0 : i32
      %dma_start3A_36 = tpu.memref_slice %arg13[%mul3A_4, %dma_start3A_35] : memref<10000x128xf32, #tpu.memory_space<vmem_shared>> -> memref<624x128xf32, #tpu.memory_space<vmem_shared>>
      %dma_start3A_37 = arith.constant 0 : i32
      %dma_start3A_38 = arith.constant 0 : i32
      %dma_start3A_39 = tpu.memref_slice %arg5[%dma_start3A_37, %dma_start3A_38] : memref<624x128xf32, #tpu.memory_space<hbm>> -> memref<624x128xf32, #tpu.memory_space<hbm>>
      tpu.enqueue_dma source(%dma_start3A_39 : memref<624x128xf32, #tpu.memory_space<hbm>>) target(%dma_start3A_36 : memref<624x128xf32, #tpu.memory_space<vmem_shared>>) target_semaphore(%run_scoped3A : memref<!tpu.dma_semaphore, #tpu.memory_space<semaphore_mem>>)
      %dma_wait3A_40 = arith.constant 0 : i32
      %dma_wait3A_41 = tpu.memref_slice %arg13[%mul3A_4, %dma_wait3A_40] : memref<10000x128xf32, #tpu.memory_space<vmem_shared>> -> memref<624x128xf32, #tpu.memory_space<vmem_shared>>
      %dma_wait3A_42 = arith.constant 0 : i32
      %dma_wait3A_43 = arith.constant 0 : i32
      %dma_wait3A_44 = tpu.memref_slice %arg5[%dma_wait3A_42, %dma_wait3A_43] : memref<624x128xf32, #tpu.memory_space<hbm>> -> memref<624x128xf32, #tpu.memory_space<hbm>>
      tpu.wait_dma2 semaphore(%run_scoped3A : memref<!tpu.dma_semaphore, #tpu.memory_space<semaphore_mem>>) src(%dma_wait3A_44 : memref<624x128xf32, #tpu.memory_space<hbm>>) dst(%dma_wait3A_41 : memref<624x128xf32, #tpu.memory_space<vmem_shared>>)
      tpu.yield
    }) : () -> ()
    %eq3A = arith.constant 15 : i32
    %eq3A_5 = arith.cmpi eq, %arg1, %eq3A : i32
    %convert_element_type3A = arith.extui %eq3A_5 : i1 to i32
    %cond3A = arith.constant 0 : i32
    %cond3A_6 = arith.cmpi ne, %convert_element_type3A, %cond3A : i32
    scf.if %cond3A_6 {
      "tpu.region"() ({
        %run_scoped3A = tpu.sem_alloc : memref<!tpu.dma_semaphore, #tpu.memory_space<semaphore_mem>>
        %dma_start3A_35 = arith.constant 9984 : i32
        %dma_start3A_36 = arith.constant 0 : i32
        %dma_start3A_37 = tpu.memref_slice %arg13[%dma_start3A_35, %dma_start3A_36] : memref<10000x128xf32, #tpu.memory_space<vmem_shared>> -> memref<16x128xf32, #tpu.memory_space<vmem_shared>>
        %dma_start3A_38 = arith.constant 0 : i32
        %dma_start3A_39 = arith.constant 0 : i32
        %dma_start3A_40 = tpu.memref_slice %arg5[%dma_start3A_38, %dma_start3A_39] : memref<624x128xf32, #tpu.memory_space<hbm>> -> memref<16x128xf32, #tpu.memory_space<hbm>>
        tpu.enqueue_dma source(%dma_start3A_40 : memref<16x128xf32, #tpu.memory_space<hbm>>) target(%dma_start3A_37 : memref<16x128xf32, #tpu.memory_space<vmem_shared>>) target_semaphore(%run_scoped3A : memref<!tpu.dma_semaphore, #tpu.memory_space<semaphore_mem>>)
        %dma_wait3A_41 = arith.constant 9984 : i32
        %dma_wait3A_42 = arith.constant 0 : i32
        %dma_wait3A_43 = tpu.memref_slice %arg13[%dma_wait3A_41, %dma_wait3A_42] : memref<10000x128xf32, #tpu.memory_space<vmem_shared>> -> memref<16x128xf32, #tpu.memory_space<vmem_shared>>
        %dma_wait3A_44 = arith.constant 0 : i32
        %dma_wait3A_45 = arith.constant 0 : i32
        %dma_wait3A_46 = tpu.memref_slice %arg5[%dma_wait3A_44, %dma_wait3A_45] : memref<624x128xf32, #tpu.memory_space<hbm>> -> memref<16x128xf32, #tpu.memory_space<hbm>>
        tpu.wait_dma2 semaphore(%run_scoped3A : memref<!tpu.dma_semaphore, #tpu.memory_space<semaphore_mem>>) src(%dma_wait3A_46 : memref<16x128xf32, #tpu.memory_space<hbm>>) dst(%dma_wait3A_43 : memref<16x128xf32, #tpu.memory_space<vmem_shared>>)
        tpu.yield
      }) : () -> ()
    } else {
    }
    %barrier3A = arith.constant 0 : index
    tpu.barrier barrier_id(%barrier3A)
    %scan3A = arith.constant 0 : i32
    %scan3A_7 = arith.constant 156 : i32
    %scan3A_8 = arith.addi %scan3A, %scan3A_7 : i32
    %scan3A_9 = arith.constant 1 : i32
    scf.for %scan3A_35 = %scan3A to %scan3A_8 step %scan3A_9  : i32 {
      %mul3A_36 = arith.constant 128 : i32
      %mul3A_37 = arith.muli %scan3A_35, %mul3A_36 : i32
      %add3A_38 = arith.addi %mul3A_0, %mul3A_37 : i32
      "tpu.region"() ({
        %run_scoped3A = tpu.sem_alloc : memref<!tpu.dma_semaphore, #tpu.memory_space<semaphore_mem>>
        %dma_start3A_50 = tpu.memref_slice %arg3[%add3A_38] : memref<320000xi32, #tpu.memory_space<hbm>> -> memref<128xi32, #tpu.memory_space<hbm>>
        %dma_start3A_51 = tpu.memref_slice %arg3[%add3A_38] : memref<320000xi32, #tpu.memory_space<hbm>> -> memref<128xi32, #tpu.memory_space<hbm>>
        tpu.enqueue_dma source(%dma_start3A_51 : memref<128xi32, #tpu.memory_space<hbm>>) target(%arg7 : memref<128xi32, #tpu.memory_space<vmem>>) target_semaphore(%run_scoped3A : memref<!tpu.dma_semaphore, #tpu.memory_space<semaphore_mem>>)
        %dma_wait3A_52 = tpu.memref_slice %arg3[%add3A_38] : memref<320000xi32, #tpu.memory_space<hbm>> -> memref<128xi32, #tpu.memory_space<hbm>>
        %dma_wait3A_53 = tpu.memref_slice %arg3[%add3A_38] : memref<320000xi32, #tpu.memory_space<hbm>> -> memref<128xi32, #tpu.memory_space<hbm>>
        tpu.wait_dma2 semaphore(%run_scoped3A : memref<!tpu.dma_semaphore, #tpu.memory_space<semaphore_mem>>) src(%dma_wait3A_53 : memref<128xi32, #tpu.memory_space<hbm>>) dst(%arg7 : memref<128xi32, #tpu.memory_space<vmem>>)
        tpu.yield
      }) : () -> ()
      "tpu.region"() ({
        %run_scoped3A = tpu.sem_alloc : memref<!tpu.dma_semaphore, #tpu.memory_space<semaphore_mem>>
        %dma_start3A_50 = tpu.memref_slice %arg4[%add3A_38] : memref<320000xi32, #tpu.memory_space<hbm>> -> memref<128xi32, #tpu.memory_space<hbm>>
        %dma_start3A_51 = tpu.memref_slice %arg4[%add3A_38] : memref<320000xi32, #tpu.memory_space<hbm>> -> memref<128xi32, #tpu.memory_space<hbm>>
        tpu.enqueue_dma source(%dma_start3A_51 : memref<128xi32, #tpu.memory_space<hbm>>) target(%arg9 : memref<128xi32, #tpu.memory_space<vmem>>) target_semaphore(%run_scoped3A : memref<!tpu.dma_semaphore, #tpu.memory_space<semaphore_mem>>)
        %dma_wait3A_52 = tpu.memref_slice %arg4[%add3A_38] : memref<320000xi32, #tpu.memory_space<hbm>> -> memref<128xi32, #tpu.memory_space<hbm>>
        %dma_wait3A_53 = tpu.memref_slice %arg4[%add3A_38] : memref<320000xi32, #tpu.memory_space<hbm>> -> memref<128xi32, #tpu.memory_space<hbm>>
        tpu.wait_dma2 semaphore(%run_scoped3A : memref<!tpu.dma_semaphore, #tpu.memory_space<semaphore_mem>>) src(%dma_wait3A_53 : memref<128xi32, #tpu.memory_space<hbm>>) dst(%arg9 : memref<128xi32, #tpu.memory_space<vmem>>)
        tpu.yield
      }) : () -> ()
      %scan3A_39 = arith.constant 0 : i32
      %scan3A_40 = arith.constant 8 : i32
      %scan3A_41 = arith.addi %scan3A_39, %scan3A_40 : i32
      %scan3A_42 = arith.constant 1 : i32
      scf.for %scan3A_50 = %scan3A_39 to %scan3A_41 step %scan3A_42  : i32 {
        %mul3A_51 = arith.constant 16 : i32
        %mul3A_52 = arith.muli %scan3A_50, %mul3A_51 : i32
        %get3A = arith.index_cast %mul3A_52 : i32 to index
        %get3A_53 = tpu.vector_load %arg7[%get3A] {strides = array<i32>} : memref<128xi32, #tpu.memory_space<vmem>>, vector<16xi32>,
        %get3A_54 = vector.shape_cast %get3A_53 : vector<16xi32> to vector<16xi32>
        %add3A_55 = vector.broadcast %mul3A_2 : i32 to vector<16xi32>
        %add3A_56 = arith.addi %get3A_54, %add3A_55 : vector<16xi32>
        %mul3A_57 = arith.constant 16 : i32
        %mul3A_58 = arith.muli %scan3A_50, %mul3A_57 : i32
        %swap3A = arith.index_cast %mul3A_58 : i32 to index
        %swap3A_59 = tpu.vector_load %arg7[%swap3A] {strides = array<i32>} : memref<128xi32, #tpu.memory_space<vmem>>, vector<16xi32>,
        %swap3A_60 = vector.shape_cast %swap3A_59 : vector<16xi32> to vector<16xi32>
        %swap3A_61 = vector.shape_cast %add3A_56 : vector<16xi32> to vector<16xi32>
        tpu.vector_store %arg7[%swap3A], %swap3A_61 {strides = array<i32>} : memref<128xi32, #tpu.memory_space<vmem>>, vector<16xi32>,
      }
      %scan3A_43 = arith.constant 8 : i32
      %dma_start3A_44 = arith.constant 0 : i32
      %dma_start3A_45 = arith.constant 0 : i32
      %dma_start3A_46 = tpu.memref_slice %arg2[%dma_start3A_44, %dma_start3A_45] : memref<20000x128xf32, #tpu.memory_space<hbm>> -> memref<20000x128xf32, #tpu.memory_space<hbm>>
      tpu.enqueue_indirect_dma source(%dma_start3A_46 : memref<20000x128xf32, #tpu.memory_space<hbm>>) target(%arg11 : memref<128x128xf32, #tpu.memory_space<vmem>>) offsets(%arg7 : memref<128xi32, #tpu.memory_space<vmem>>) semaphore(%arg12 : memref<!tpu.dma_semaphore, #tpu.memory_space<semaphore_mem>>)
      %dma_wait3A_47 = arith.constant 0 : i32
      %dma_wait3A_48 = arith.constant 0 : i32
      %dma_wait3A_49 = tpu.memref_slice %arg2[%dma_wait3A_47, %dma_wait3A_48] : memref<20000x128xf32, #tpu.memory_space<hbm>> -> memref<20000x128xf32, #tpu.memory_space<hbm>>
      tpu.wait_indirect_dma semaphore(%arg12 : memref<!tpu.dma_semaphore, #tpu.memory_space<semaphore_mem>>) src(%dma_wait3A_49 : memref<20000x128xf32, #tpu.memory_space<hbm>>) dst(%arg11 : memref<128x128xf32, #tpu.memory_space<vmem>>)
      "tpu.region"() ({
        %run_scoped3A = tpu.sem_alloc : memref<!tpu.dma_semaphore, #tpu.memory_space<semaphore_mem>>
        %dma_start3A_50 = arith.constant 0 : i32
        %dma_start3A_51 = arith.constant 0 : i32
        %dma_start3A_52 = tpu.memref_slice %arg13[%dma_start3A_50, %dma_start3A_51] : memref<10000x128xf32, #tpu.memory_space<vmem_shared>> -> memref<10000x128xf32, #tpu.memory_space<vmem_shared>>
        tpu.enqueue_indirect_dma source(%arg11 : memref<128x128xf32, #tpu.memory_space<vmem>>) target(%dma_start3A_52 : memref<10000x128xf32, #tpu.memory_space<vmem_shared>>) offsets(%arg9 : memref<128xi32, #tpu.memory_space<vmem>>) semaphore(%run_scoped3A : memref<!tpu.dma_semaphore, #tpu.memory_space<semaphore_mem>>) {add = true}
        %dma_wait3A_53 = arith.constant 0 : i32
        %dma_wait3A_54 = arith.constant 0 : i32
        %dma_wait3A_55 = tpu.memref_slice %arg13[%dma_wait3A_53, %dma_wait3A_54] : memref<10000x128xf32, #tpu.memory_space<vmem_shared>> -> memref<10000x128xf32, #tpu.memory_space<vmem_shared>>
        tpu.wait_indirect_dma semaphore(%run_scoped3A : memref<!tpu.dma_semaphore, #tpu.memory_space<semaphore_mem>>) src(%arg11 : memref<128x128xf32, #tpu.memory_space<vmem>>) dst(%dma_wait3A_55 : memref<10000x128xf32, #tpu.memory_space<vmem_shared>>)
        tpu.yield
      }) : () -> ()
    }
    %scan3A_10 = arith.constant 156 : i32
    %add3A = arith.constant 19968 : i32
    %add3A_11 = arith.addi %mul3A_0, %add3A : i32
    "tpu.region"() ({
      %run_scoped3A = tpu.sem_alloc : memref<!tpu.dma_semaphore, #tpu.memory_space<semaphore_mem>>
      %dma_start3A_35 = tpu.memref_slice %arg3[%add3A_11] : memref<320000xi32, #tpu.memory_space<hbm>> -> memref<32xi32, #tpu.memory_space<hbm>>
      %dma_start3A_36 = tpu.memref_slice %arg3[%add3A_11] : memref<320000xi32, #tpu.memory_space<hbm>> -> memref<32xi32, #tpu.memory_space<hbm>>
      tpu.enqueue_dma source(%dma_start3A_36 : memref<32xi32, #tpu.memory_space<hbm>>) target(%arg8 : memref<32xi32, #tpu.memory_space<vmem>>) target_semaphore(%run_scoped3A : memref<!tpu.dma_semaphore, #tpu.memory_space<semaphore_mem>>)
      %dma_wait3A_37 = tpu.memref_slice %arg3[%add3A_11] : memref<320000xi32, #tpu.memory_space<hbm>> -> memref<32xi32, #tpu.memory_space<hbm>>
      %dma_wait3A_38 = tpu.memref_slice %arg3[%add3A_11] : memref<320000xi32, #tpu.memory_space<hbm>> -> memref<32xi32, #tpu.memory_space<hbm>>
      tpu.wait_dma2 semaphore(%run_scoped3A : memref<!tpu.dma_semaphore, #tpu.memory_space<semaphore_mem>>) src(%dma_wait3A_38 : memref<32xi32, #tpu.memory_space<hbm>>) dst(%arg8 : memref<32xi32, #tpu.memory_space<vmem>>)
      tpu.yield
    }) : () -> ()
    "tpu.region"() ({
      %run_scoped3A = tpu.sem_alloc : memref<!tpu.dma_semaphore, #tpu.memory_space<semaphore_mem>>
      %dma_start3A_35 = tpu.memref_slice %arg4[%add3A_11] : memref<320000xi32, #tpu.memory_space<hbm>> -> memref<32xi32, #tpu.memory_space<hbm>>
      %dma_start3A_36 = tpu.memref_slice %arg4[%add3A_11] : memref<320000xi32, #tpu.memory_space<hbm>> -> memref<32xi32, #tpu.memory_space<hbm>>
      tpu.enqueue_dma source(%dma_start3A_36 : memref<32xi32, #tpu.memory_space<hbm>>) target(%arg10 : memref<32xi32, #tpu.memory_space<vmem>>) target_semaphore(%run_scoped3A : memref<!tpu.dma_semaphore, #tpu.memory_space<semaphore_mem>>)
      %dma_wait3A_37 = tpu.memref_slice %arg4[%add3A_11] : memref<320000xi32, #tpu.memory_space<hbm>> -> memref<32xi32, #tpu.memory_space<hbm>>
      %dma_wait3A_38 = tpu.memref_slice %arg4[%add3A_11] : memref<320000xi32, #tpu.memory_space<hbm>> -> memref<32xi32, #tpu.memory_space<hbm>>
      tpu.wait_dma2 semaphore(%run_scoped3A : memref<!tpu.dma_semaphore, #tpu.memory_space<semaphore_mem>>) src(%dma_wait3A_38 : memref<32xi32, #tpu.memory_space<hbm>>) dst(%arg10 : memref<32xi32, #tpu.memory_space<vmem>>)
      tpu.yield
    }) : () -> ()
    %scan3A_12 = arith.constant 0 : i32
    %scan3A_13 = arith.constant 2 : i32
    %scan3A_14 = arith.addi %scan3A_12, %scan3A_13 : i32
    %scan3A_15 = arith.constant 1 : i32
    scf.for %scan3A_35 = %scan3A_12 to %scan3A_14 step %scan3A_15  : i32 {
      %mul3A_36 = arith.constant 16 : i32
      %mul3A_37 = arith.muli %scan3A_35, %mul3A_36 : i32
      %get3A = arith.index_cast %mul3A_37 : i32 to index
      %get3A_38 = tpu.vector_load %arg8[%get3A] {strides = array<i32>} : memref<32xi32, #tpu.memory_space<vmem>>, vector<16xi32>,
      %get3A_39 = vector.shape_cast %get3A_38 : vector<16xi32> to vector<16xi32>
      %add3A_40 = vector.broadcast %mul3A_2 : i32 to vector<16xi32>
      %add3A_41 = arith.addi %get3A_39, %add3A_40 : vector<16xi32>
      %mul3A_42 = arith.constant 16 : i32
      %mul3A_43 = arith.muli %scan3A_35, %mul3A_42 : i32
      %swap3A = arith.index_cast %mul3A_43 : i32 to index
      %swap3A_44 = tpu.vector_load %arg8[%swap3A] {strides = array<i32>} : memref<32xi32, #tpu.memory_space<vmem>>, vector<16xi32>,
      %swap3A_45 = vector.shape_cast %swap3A_44 : vector<16xi32> to vector<16xi32>
      %swap3A_46 = vector.shape_cast %add3A_41 : vector<16xi32> to vector<16xi32>
      tpu.vector_store %arg8[%swap3A], %swap3A_46 {strides = array<i32>} : memref<32xi32, #tpu.memory_space<vmem>>, vector<16xi32>,
    }
    %scan3A_16 = arith.constant 2 : i32
    %dma_start3A = arith.constant 0 : i32
    %dma_start3A_17 = arith.constant 0 : i32
    %dma_start3A_18 = tpu.memref_slice %arg11[%dma_start3A, %dma_start3A_17] : memref<128x128xf32, #tpu.memory_space<vmem>> -> memref<32x128xf32, #tpu.memory_space<vmem>>
    %dma_start3A_19 = arith.constant 0 : i32
    %dma_start3A_20 = arith.constant 0 : i32
    %dma_start3A_21 = tpu.memref_slice %arg2[%dma_start3A_19, %dma_start3A_20] : memref<20000x128xf32, #tpu.memory_space<hbm>> -> memref<20000x128xf32, #tpu.memory_space<hbm>>
    tpu.enqueue_indirect_dma source(%dma_start3A_21 : memref<20000x128xf32, #tpu.memory_space<hbm>>) target(%dma_start3A_18 : memref<32x128xf32, #tpu.memory_space<vmem>>) offsets(%arg8 : memref<32xi32, #tpu.memory_space<vmem>>) semaphore(%arg12 : memref<!tpu.dma_semaphore, #tpu.memory_space<semaphore_mem>>)
    %dma_wait3A = arith.constant 0 : i32
    %dma_wait3A_22 = arith.constant 0 : i32
    %dma_wait3A_23 = tpu.memref_slice %arg11[%dma_wait3A, %dma_wait3A_22] : memref<128x128xf32, #tpu.memory_space<vmem>> -> memref<32x128xf32, #tpu.memory_space<vmem>>
    %dma_wait3A_24 = arith.constant 0 : i32
    %dma_wait3A_25 = arith.constant 0 : i32
    %dma_wait3A_26 = tpu.memref_slice %arg2[%dma_wait3A_24, %dma_wait3A_25] : memref<20000x128xf32, #tpu.memory_space<hbm>> -> memref<20000x128xf32, #tpu.memory_space<hbm>>
    tpu.wait_indirect_dma semaphore(%arg12 : memref<!tpu.dma_semaphore, #tpu.memory_space<semaphore_mem>>) src(%dma_wait3A_26 : memref<20000x128xf32, #tpu.memory_space<hbm>>) dst(%dma_wait3A_23 : memref<32x128xf32, #tpu.memory_space<vmem>>)
    "tpu.region"() ({
      %run_scoped3A = tpu.sem_alloc : memref<!tpu.dma_semaphore, #tpu.memory_space<semaphore_mem>>
      %dma_start3A_35 = arith.constant 0 : i32
      %dma_start3A_36 = arith.constant 0 : i32
      %dma_start3A_37 = tpu.memref_slice %arg11[%dma_start3A_35, %dma_start3A_36] : memref<128x128xf32, #tpu.memory_space<vmem>> -> memref<32x128xf32, #tpu.memory_space<vmem>>
      %dma_start3A_38 = arith.constant 0 : i32
      %dma_start3A_39 = arith.constant 0 : i32
      %dma_start3A_40 = tpu.memref_slice %arg13[%dma_start3A_38, %dma_start3A_39] : memref<10000x128xf32, #tpu.memory_space<vmem_shared>> -> memref<10000x128xf32, #tpu.memory_space<vmem_shared>>
      tpu.enqueue_indirect_dma source(%dma_start3A_37 : memref<32x128xf32, #tpu.memory_space<vmem>>) target(%dma_start3A_40 : memref<10000x128xf32, #tpu.memory_space<vmem_shared>>) offsets(%arg10 : memref<32xi32, #tpu.memory_space<vmem>>) semaphore(%run_scoped3A : memref<!tpu.dma_semaphore, #tpu.memory_space<semaphore_mem>>) {add = true}
      %dma_wait3A_41 = arith.constant 0 : i32
      %dma_wait3A_42 = arith.constant 0 : i32
      %dma_wait3A_43 = tpu.memref_slice %arg11[%dma_wait3A_41, %dma_wait3A_42] : memref<128x128xf32, #tpu.memory_space<vmem>> -> memref<32x128xf32, #tpu.memory_space<vmem>>
      %dma_wait3A_44 = arith.constant 0 : i32
      %dma_wait3A_45 = arith.constant 0 : i32
      %dma_wait3A_46 = tpu.memref_slice %arg13[%dma_wait3A_44, %dma_wait3A_45] : memref<10000x128xf32, #tpu.memory_space<vmem_shared>> -> memref<10000x128xf32, #tpu.memory_space<vmem_shared>>
      tpu.wait_indirect_dma semaphore(%run_scoped3A : memref<!tpu.dma_semaphore, #tpu.memory_space<semaphore_mem>>) src(%dma_wait3A_43 : memref<32x128xf32, #tpu.memory_space<vmem>>) dst(%dma_wait3A_46 : memref<10000x128xf32, #tpu.memory_space<vmem_shared>>)
      tpu.yield
    }) : () -> ()
    %barrier3A_27 = arith.constant 0 : index
    tpu.barrier barrier_id(%barrier3A_27)
    %mul3A_28 = arith.constant 624 : i32
    %mul3A_29 = arith.muli %arg1, %mul3A_28 : i32
    "tpu.region"() ({
      %run_scoped3A = tpu.sem_alloc : memref<!tpu.dma_semaphore, #tpu.memory_space<semaphore_mem>>
      %dma_start3A_35 = arith.constant 0 : i32
      %dma_start3A_36 = tpu.memref_slice %arg6[%arg0, %mul3A_29, %dma_start3A_35] : memref<2x10000x128xf32, #tpu.memory_space<hbm>> -> memref<1x624x128xf32, #tpu.memory_space<hbm>>
      %dma_start3A_37 = tpu.memref_squeeze %dma_start3A_36 : memref<1x624x128xf32, #tpu.memory_space<hbm>> -> memref<624x128xf32, #tpu.memory_space<hbm>>
      %dma_start3A_38 = arith.constant 0 : i32
      %dma_start3A_39 = tpu.memref_slice %arg13[%mul3A_29, %dma_start3A_38] : memref<10000x128xf32, #tpu.memory_space<vmem_shared>> -> memref<624x128xf32, #tpu.memory_space<vmem_shared>>
      tpu.enqueue_dma source(%dma_start3A_39 : memref<624x128xf32, #tpu.memory_space<vmem_shared>>) target(%dma_start3A_37 : memref<624x128xf32, #tpu.memory_space<hbm>>) target_semaphore(%run_scoped3A : memref<!tpu.dma_semaphore, #tpu.memory_space<semaphore_mem>>)
      %dma_wait3A_40 = arith.constant 0 : i32
      %dma_wait3A_41 = tpu.memref_slice %arg6[%arg0, %mul3A_29, %dma_wait3A_40] : memref<2x10000x128xf32, #tpu.memory_space<hbm>> -> memref<1x624x128xf32, #tpu.memory_space<hbm>>
      %dma_wait3A_42 = tpu.memref_squeeze %dma_wait3A_41 : memref<1x624x128xf32, #tpu.memory_space<hbm>> -> memref<624x128xf32, #tpu.memory_space<hbm>>
      %dma_wait3A_43 = arith.constant 0 : i32
      %dma_wait3A_44 = tpu.memref_slice %arg13[%mul3A_29, %dma_wait3A_43] : memref<10000x128xf32, #tpu.memory_space<vmem_shared>> -> memref<624x128xf32, #tpu.memory_space<vmem_shared>>
      tpu.wait_dma2 semaphore(%run_scoped3A : memref<!tpu.dma_semaphore, #tpu.memory_space<semaphore_mem>>) src(%dma_wait3A_44 : memref<624x128xf32, #tpu.memory_space<vmem_shared>>) dst(%dma_wait3A_42 : memref<624x128xf32, #tpu.memory_space<hbm>>)
      tpu.yield
    }) : () -> ()
    %eq3A_30 = arith.constant 15 : i32
    %eq3A_31 = arith.cmpi eq, %arg1, %eq3A_30 : i32
    %convert_element_type3A_32 = arith.extui %eq3A_31 : i1 to i32
    %cond3A_33 = arith.constant 0 : i32
    %cond3A_34 = arith.cmpi ne, %convert_element_type3A_32, %cond3A_33 : i32
    scf.if %cond3A_34 {
      "tpu.region"() ({
        %run_scoped3A = tpu.sem_alloc : memref<!tpu.dma_semaphore, #tpu.memory_space<semaphore_mem>>
        %dma_start3A_35 = arith.constant 9984 : i32
        %dma_start3A_36 = arith.constant 0 : i32
        %dma_start3A_37 = tpu.memref_slice %arg6[%arg0, %dma_start3A_35, %dma_start3A_36] : memref<2x10000x128xf32, #tpu.memory_space<hbm>> -> memref<1x16x128xf32, #tpu.memory_space<hbm>>
        %dma_start3A_38 = tpu.memref_squeeze %dma_start3A_37 : memref<1x16x128xf32, #tpu.memory_space<hbm>> -> memref<16x128xf32, #tpu.memory_space<hbm>>
        %dma_start3A_39 = arith.constant 9984 : i32
        %dma_start3A_40 = arith.constant 0 : i32
        %dma_start3A_41 = tpu.memref_slice %arg13[%dma_start3A_39, %dma_start3A_40] : memref<10000x128xf32, #tpu.memory_space<vmem_shared>> -> memref<16x128xf32, #tpu.memory_space<vmem_shared>>
        tpu.enqueue_dma source(%dma_start3A_41 : memref<16x128xf32, #tpu.memory_space<vmem_shared>>) target(%dma_start3A_38 : memref<16x128xf32, #tpu.memory_space<hbm>>) target_semaphore(%run_scoped3A : memref<!tpu.dma_semaphore, #tpu.memory_space<semaphore_mem>>)
        %dma_wait3A_42 = arith.constant 9984 : i32
        %dma_wait3A_43 = arith.constant 0 : i32
        %dma_wait3A_44 = tpu.memref_slice %arg6[%arg0, %dma_wait3A_42, %dma_wait3A_43] : memref<2x10000x128xf32, #tpu.memory_space<hbm>> -> memref<1x16x128xf32, #tpu.memory_space<hbm>>
        %dma_wait3A_45 = tpu.memref_squeeze %dma_wait3A_44 : memref<1x16x128xf32, #tpu.memory_space<hbm>> -> memref<16x128xf32, #tpu.memory_space<hbm>>
        %dma_wait3A_46 = arith.constant 9984 : i32
        %dma_wait3A_47 = arith.constant 0 : i32
        %dma_wait3A_48 = tpu.memref_slice %arg13[%dma_wait3A_46, %dma_wait3A_47] : memref<10000x128xf32, #tpu.memory_space<vmem_shared>> -> memref<16x128xf32, #tpu.memory_space<vmem_shared>>
        tpu.wait_dma2 semaphore(%run_scoped3A : memref<!tpu.dma_semaphore, #tpu.memory_space<semaphore_mem>>) src(%dma_wait3A_48 : memref<16x128xf32, #tpu.memory_space<vmem_shared>>) dst(%dma_wait3A_45 : memref<16x128xf32, #tpu.memory_space<hbm>>)
        tpu.yield
      }) : () -> ()
    } else {
    }
    return
  }
}

module attributes {stable_mosaic.version = 14 : i64} {
  func.func @_mm_body(%arg0: i32, %arg1: memref<1000x128xf32, #tpu.memory_space<vmem>>, %arg2: memref<128x256xf32, #tpu.memory_space<vmem>>, %arg3: memref<2x1000x128xf32, #tpu.memory_space<vmem>>) attributes {dimension_semantics = [#tpu.dimension_semantics<arbitrary>], iteration_bounds = array<i64: 10>, scalar_prefetch = 0 : i64, scratch_operands = 0 : i64, tpu.core_type = #tpu.core_type<tc>, window_params = [{transform_indices = @transform_0, window_bounds = array<i64: 1000, 128>}, {pipeline_mode = #tpu.pipeline_mode<synchronous>, transform_indices = @transform_1, window_bounds = array<i64: 128, 256>}, {transform_indices = @transform_2, window_bounds = array<i64: 2, 1000, 128>}]} {
    %get3A = arith.constant 0 : index
    %get3A_0 = arith.constant 0 : index
    %get3A_1 = vector.load %arg1[%get3A, %get3A_0] : memref<1000x128xf32, #tpu.memory_space<vmem>>, vector<1000x128xf32>
    %get3A_2 = arith.constant 0 : index
    %get3A_3 = arith.constant 0 : index
    %get3A_4 = vector.load %arg2[%get3A_2, %get3A_3] : memref<128x256xf32, #tpu.memory_space<vmem>>, vector<128x256xf32>
    %dot_general3A = arith.constant dense<0.000000e+00> : vector<1000x256xf32>
    %dot_general3A_5 = tpu.matmul %get3A_1, %get3A_4, %dot_general3A {dimension_numbers = #tpu.dot_dimension_numbers<[1], [0], [0], [1], [0, 0, 1, 1], [], []>, precision = #tpu.contract_precision<fp32>, transpose_lhs_hint = false} : vector<1000x128xf32>, vector<128x256xf32>, vector<1000x256xf32> -> vector<1000x256xf32>
    %slice3A = vector.extract_strided_slice %dot_general3A_5 {offsets = [0, 0], sizes = [1000, 128], strides = [1, 1]} : vector<1000x256xf32> to vector<1000x128xf32>
    %swap3A = arith.constant 0 : index
    %swap3A_6 = arith.constant 0 : index
    %swap3A_7 = arith.constant 0 : index
    %swap3A_8 = vector.load %arg3[%swap3A, %swap3A_6, %swap3A_7] : memref<2x1000x128xf32, #tpu.memory_space<vmem>>, vector<1x1000x128xf32>
    %swap3A_9 = vector.shape_cast %swap3A_8 : vector<1x1000x128xf32> to vector<1000x128xf32>
    %swap3A_10 = vector.shape_cast %slice3A : vector<1000x128xf32> to vector<1x1000x128xf32>
    tpu.vector_store %arg3[%swap3A, %swap3A_6, %swap3A_7], %swap3A_10 {strides = array<i32>} : memref<2x1000x128xf32, #tpu.memory_space<vmem>>, vector<1x1000x128xf32>,
    %slice3A_11 = vector.extract_strided_slice %dot_general3A_5 {offsets = [0, 128], sizes = [1000, 128], strides = [1, 1]} : vector<1000x256xf32> to vector<1000x128xf32>
    %swap3A_12 = arith.constant 1 : index
    %swap3A_13 = arith.constant 0 : index
    %swap3A_14 = arith.constant 0 : index
    %swap3A_15 = vector.load %arg3[%swap3A_12, %swap3A_13, %swap3A_14] : memref<2x1000x128xf32, #tpu.memory_space<vmem>>, vector<1x1000x128xf32>
    %swap3A_16 = vector.shape_cast %swap3A_15 : vector<1x1000x128xf32> to vector<1000x128xf32>
    %swap3A_17 = vector.shape_cast %slice3A_11 : vector<1000x128xf32> to vector<1x1000x128xf32>
    tpu.vector_store %arg3[%swap3A_12, %swap3A_13, %swap3A_14], %swap3A_17 {strides = array<i32>} : memref<2x1000x128xf32, #tpu.memory_space<vmem>>, vector<1x1000x128xf32>,
    return
  }
  func.func @transform_0(%arg0: i32) -> (i32, i32) {
    %c0_i32 = arith.constant 0 : i32
    %c0_i32_0 = arith.constant 0 : i32
    return %arg0, %c0_i32 : i32, i32
  }
  func.func @transform_1(%arg0: i32) -> (i32, i32) {
    %c0_i32 = arith.constant 0 : i32
    %c0_i32_0 = arith.constant 0 : i32
    %c0_i32_1 = arith.constant 0 : i32
    return %c0_i32, %c0_i32_0 : i32, i32
  }
  func.func @transform_2(%arg0: i32) -> (i32, i32, i32) {
    %c0_i32 = arith.constant 0 : i32
    %c0_i32_0 = arith.constant 0 : i32
    %c0_i32_1 = arith.constant 0 : i32
    return %c0_i32, %arg0, %c0_i32_0 : i32, i32, i32
  }
}

module attributes {stable_mosaic.version = 14 : i64} {
  func.func @_scale_body(%arg0: i32, %arg1: memref<2x1000x128xf32, #tpu.memory_space<vmem>>, %arg2: memref<2x1000x128xf32, #tpu.memory_space<vmem>>, %arg3: memref<2x1000x128xf32, #tpu.memory_space<vmem>>) attributes {dimension_semantics = [#tpu.dimension_semantics<arbitrary>], iteration_bounds = array<i64: 10>, scalar_prefetch = 0 : i64, scratch_operands = 0 : i64, tpu.core_type = #tpu.core_type<tc>, window_params = [{transform_indices = @transform_0, window_bounds = array<i64: 2, 1000, 128>}, {transform_indices = @transform_1, window_bounds = array<i64: 2, 1000, 128>}, {transform_indices = @transform_2, window_bounds = array<i64: 2, 1000, 128>}]} {
    %get3A = arith.constant 0 : index
    %get3A_0 = arith.constant 0 : index
    %get3A_1 = arith.constant 0 : index
    %get3A_2 = vector.load %arg2[%get3A, %get3A_0, %get3A_1] : memref<2x1000x128xf32, #tpu.memory_space<vmem>>, vector<2x1000x128xf32>
    %slice3A = vector.extract_strided_slice %get3A_2 {offsets = [0, 0, 0], sizes = [1, 1000, 1], strides = [1, 1, 1]} : vector<2x1000x128xf32> to vector<1x1000x1xf32>
    %squeeze3A = vector.shape_cast %slice3A : vector<1x1000x1xf32> to vector<1000xf32>
    %add3A = arith.constant 1.000000e+00 : f32
    %add3A_3 = vector.broadcast %add3A : f32 to vector<1000xf32>
    %add3A_4 = arith.addf %add3A_3, %squeeze3A : vector<1000xf32>
    %slice3A_5 = vector.extract_strided_slice %get3A_2 {offsets = [1, 0, 0], sizes = [1, 1000, 1], strides = [1, 1, 1]} : vector<2x1000x128xf32> to vector<1x1000x1xf32>
    %squeeze3A_6 = vector.shape_cast %slice3A_5 : vector<1x1000x1xf32> to vector<1000xf32>
    %add3A_7 = arith.addf %add3A_4, %squeeze3A_6 : vector<1000xf32>
    %rsqrt3A = math.rsqrt %add3A_7 : vector<1000xf32>
    %get3A_8 = arith.constant 0 : index
    %get3A_9 = arith.constant 0 : index
    %get3A_10 = arith.constant 0 : index
    %get3A_11 = vector.load %arg1[%get3A_8, %get3A_9, %get3A_10] : memref<2x1000x128xf32, #tpu.memory_space<vmem>>, vector<1x1000x128xf32>
    %get3A_12 = vector.shape_cast %get3A_11 : vector<1x1000x128xf32> to vector<1000x128xf32>
    %broadcast_in_dim3A = vector.shape_cast %rsqrt3A : vector<1000xf32> to vector<1000x1xf32>
    %mul3A = vector.broadcast %broadcast_in_dim3A : vector<1000x1xf32> to vector<1000x128xf32>
    %mul3A_13 = arith.mulf %get3A_12, %mul3A : vector<1000x128xf32>
    %swap3A = arith.constant 0 : index
    %swap3A_14 = arith.constant 0 : index
    %swap3A_15 = arith.constant 0 : index
    %swap3A_16 = vector.load %arg3[%swap3A, %swap3A_14, %swap3A_15] : memref<2x1000x128xf32, #tpu.memory_space<vmem>>, vector<1x1000x128xf32>
    %swap3A_17 = vector.shape_cast %swap3A_16 : vector<1x1000x128xf32> to vector<1000x128xf32>
    %swap3A_18 = vector.shape_cast %mul3A_13 : vector<1000x128xf32> to vector<1x1000x128xf32>
    tpu.vector_store %arg3[%swap3A, %swap3A_14, %swap3A_15], %swap3A_18 {strides = array<i32>} : memref<2x1000x128xf32, #tpu.memory_space<vmem>>, vector<1x1000x128xf32>,
    %get3A_19 = arith.constant 1 : index
    %get3A_20 = arith.constant 0 : index
    %get3A_21 = arith.constant 0 : index
    %get3A_22 = vector.load %arg1[%get3A_19, %get3A_20, %get3A_21] : memref<2x1000x128xf32, #tpu.memory_space<vmem>>, vector<1x1000x128xf32>
    %get3A_23 = vector.shape_cast %get3A_22 : vector<1x1000x128xf32> to vector<1000x128xf32>
    %broadcast_in_dim3A_24 = vector.shape_cast %rsqrt3A : vector<1000xf32> to vector<1000x1xf32>
    %mul3A_25 = vector.broadcast %broadcast_in_dim3A_24 : vector<1000x1xf32> to vector<1000x128xf32>
    %mul3A_26 = arith.mulf %get3A_23, %mul3A_25 : vector<1000x128xf32>
    %swap3A_27 = arith.constant 1 : index
    %swap3A_28 = arith.constant 0 : index
    %swap3A_29 = arith.constant 0 : index
    %swap3A_30 = vector.load %arg3[%swap3A_27, %swap3A_28, %swap3A_29] : memref<2x1000x128xf32, #tpu.memory_space<vmem>>, vector<1x1000x128xf32>
    %swap3A_31 = vector.shape_cast %swap3A_30 : vector<1x1000x128xf32> to vector<1000x128xf32>
    %swap3A_32 = vector.shape_cast %mul3A_26 : vector<1000x128xf32> to vector<1x1000x128xf32>
    tpu.vector_store %arg3[%swap3A_27, %swap3A_28, %swap3A_29], %swap3A_32 {strides = array<i32>} : memref<2x1000x128xf32, #tpu.memory_space<vmem>>, vector<1x1000x128xf32>,
    return
  }
  func.func @transform_0(%arg0: i32) -> (i32, i32, i32) {
    %c0_i32 = arith.constant 0 : i32
    %c0_i32_0 = arith.constant 0 : i32
    %c0_i32_1 = arith.constant 0 : i32
    return %c0_i32, %arg0, %c0_i32_0 : i32, i32, i32
  }
  func.func @transform_1(%arg0: i32) -> (i32, i32, i32) {
    %c0_i32 = arith.constant 0 : i32
    %c0_i32_0 = arith.constant 0 : i32
    %c0_i32_1 = arith.constant 0 : i32
    return %c0_i32, %arg0, %c0_i32_0 : i32, i32, i32
  }
  func.func @transform_2(%arg0: i32) -> (i32, i32, i32) {
    %c0_i32 = arith.constant 0 : i32
    %c0_i32_0 = arith.constant 0 : i32
    %c0_i32_1 = arith.constant 0 : i32
    return %c0_i32, %arg0, %c0_i32_0 : i32, i32, i32
  }
}

module attributes {stable_mosaic.version = 14 : i64} {
  func.func @_mid_body(%arg0: i32, %arg1: memref<2x1000x128xf32, #tpu.memory_space<vmem>>, %arg2: memref<2x1000x128xf32, #tpu.memory_space<vmem>>, %arg3: memref<2x1000x128xf32, #tpu.memory_space<vmem>>, %arg4: memref<256x128xf32, #tpu.memory_space<vmem>>, %arg5: memref<1x256xf32, #tpu.memory_space<vmem>>, %arg6: memref<1000x128xf32, #tpu.memory_space<vmem>>) attributes {dimension_semantics = [#tpu.dimension_semantics<arbitrary>], iteration_bounds = array<i64: 10>, scalar_prefetch = 0 : i64, scratch_operands = 0 : i64, tpu.core_type = #tpu.core_type<tc>, window_params = [{transform_indices = @transform_0, window_bounds = array<i64: 2, 1000, 128>}, {transform_indices = @transform_1, window_bounds = array<i64: 2, 1000, 128>}, {transform_indices = @transform_2, window_bounds = array<i64: 2, 1000, 128>}, {pipeline_mode = #tpu.pipeline_mode<synchronous>, transform_indices = @transform_3, window_bounds = array<i64: 256, 128>}, {pipeline_mode = #tpu.pipeline_mode<synchronous>, transform_indices = @transform_4, window_bounds = array<i64: 1, 256>}, {transform_indices = @transform_5, window_bounds = array<i64: 1000, 128>}]} {
    %get3A = arith.constant 0 : index
    %get3A_0 = arith.constant 0 : index
    %get3A_1 = arith.constant 0 : index
    %get3A_2 = vector.load %arg3[%get3A, %get3A_0, %get3A_1] : memref<2x1000x128xf32, #tpu.memory_space<vmem>>, vector<2x1000x128xf32>
    %slice3A = vector.extract_strided_slice %get3A_2 {offsets = [0, 0, 0], sizes = [1, 1000, 1], strides = [1, 1, 1]} : vector<2x1000x128xf32> to vector<1x1000x1xf32>
    %squeeze3A = vector.shape_cast %slice3A : vector<1x1000x1xf32> to vector<1000xf32>
    %add3A = arith.constant 1.000000e+00 : f32
    %add3A_3 = vector.broadcast %add3A : f32 to vector<1000xf32>
    %add3A_4 = arith.addf %add3A_3, %squeeze3A : vector<1000xf32>
    %slice3A_5 = vector.extract_strided_slice %get3A_2 {offsets = [1, 0, 0], sizes = [1, 1000, 1], strides = [1, 1, 1]} : vector<2x1000x128xf32> to vector<1x1000x1xf32>
    %squeeze3A_6 = vector.shape_cast %slice3A_5 : vector<1x1000x1xf32> to vector<1000xf32>
    %add3A_7 = arith.addf %add3A_4, %squeeze3A_6 : vector<1000xf32>
    %rsqrt3A = math.rsqrt %add3A_7 : vector<1000xf32>
    %broadcast_in_dim3A = vector.shape_cast %rsqrt3A : vector<1000xf32> to vector<1000x1xf32>
    %get3A_8 = arith.constant 0 : index
    %get3A_9 = arith.constant 0 : index
    %get3A_10 = arith.constant 0 : index
    %get3A_11 = vector.load %arg1[%get3A_8, %get3A_9, %get3A_10] : memref<2x1000x128xf32, #tpu.memory_space<vmem>>, vector<1x1000x128xf32>
    %get3A_12 = vector.shape_cast %get3A_11 : vector<1x1000x128xf32> to vector<1000x128xf32>
    %get3A_13 = arith.constant 0 : index
    %get3A_14 = arith.constant 0 : index
    %get3A_15 = arith.constant 0 : index
    %get3A_16 = vector.load %arg2[%get3A_13, %get3A_14, %get3A_15] : memref<2x1000x128xf32, #tpu.memory_space<vmem>>, vector<1x1000x128xf32>
    %get3A_17 = vector.shape_cast %get3A_16 : vector<1x1000x128xf32> to vector<1000x128xf32>
    %add3A_18 = arith.addf %get3A_12, %get3A_17 : vector<1000x128xf32>
    %mul3A = vector.broadcast %broadcast_in_dim3A : vector<1000x1xf32> to vector<1000x128xf32>
    %mul3A_19 = arith.mulf %mul3A, %add3A_18 : vector<1000x128xf32>
    %get3A_20 = arith.constant 0 : index
    %get3A_21 = arith.constant 0 : index
    %get3A_22 = vector.load %arg5[%get3A_20, %get3A_21] : memref<1x256xf32, #tpu.memory_space<vmem>>, vector<1x128xf32>
    %get3A_23 = vector.shape_cast %get3A_22 : vector<1x128xf32> to vector<128xf32>
    %broadcast_in_dim3A_24 = vector.shape_cast %get3A_23 : vector<128xf32> to vector<1x128xf32>
    %add3A_25 = vector.broadcast %broadcast_in_dim3A_24 : vector<1x128xf32> to vector<1000x128xf32>
    %add3A_26 = arith.addf %mul3A_19, %add3A_25 : vector<1000x128xf32>
    %max3A = arith.constant 0.000000e+00 : f32
    %max3A_27 = vector.broadcast %max3A : f32 to vector<1000x128xf32>
    %max3A_28 = arith.maximumf %add3A_26, %max3A_27 : vector<1000x128xf32>
    %broadcast_in_dim3A_29 = vector.shape_cast %rsqrt3A : vector<1000xf32> to vector<1000x1xf32>
    %get3A_30 = arith.constant 1 : index
    %get3A_31 = arith.constant 0 : index
    %get3A_32 = arith.constant 0 : index
    %get3A_33 = vector.load %arg1[%get3A_30, %get3A_31, %get3A_32] : memref<2x1000x128xf32, #tpu.memory_space<vmem>>, vector<1x1000x128xf32>
    %get3A_34 = vector.shape_cast %get3A_33 : vector<1x1000x128xf32> to vector<1000x128xf32>
    %get3A_35 = arith.constant 1 : index
    %get3A_36 = arith.constant 0 : index
    %get3A_37 = arith.constant 0 : index
    %get3A_38 = vector.load %arg2[%get3A_35, %get3A_36, %get3A_37] : memref<2x1000x128xf32, #tpu.memory_space<vmem>>, vector<1x1000x128xf32>
    %get3A_39 = vector.shape_cast %get3A_38 : vector<1x1000x128xf32> to vector<1000x128xf32>
    %add3A_40 = arith.addf %get3A_34, %get3A_39 : vector<1000x128xf32>
    %mul3A_41 = vector.broadcast %broadcast_in_dim3A_29 : vector<1000x1xf32> to vector<1000x128xf32>
    %mul3A_42 = arith.mulf %mul3A_41, %add3A_40 : vector<1000x128xf32>
    %get3A_43 = arith.constant 0 : index
    %get3A_44 = arith.constant 128 : index
    %get3A_45 = vector.load %arg5[%get3A_43, %get3A_44] : memref<1x256xf32, #tpu.memory_space<vmem>>, vector<1x128xf32>
    %get3A_46 = vector.shape_cast %get3A_45 : vector<1x128xf32> to vector<128xf32>
    %broadcast_in_dim3A_47 = vector.shape_cast %get3A_46 : vector<128xf32> to vector<1x128xf32>
    %add3A_48 = vector.broadcast %broadcast_in_dim3A_47 : vector<1x128xf32> to vector<1000x128xf32>
    %add3A_49 = arith.addf %mul3A_42, %add3A_48 : vector<1000x128xf32>
    %max3A_50 = arith.constant 0.000000e+00 : f32
    %max3A_51 = vector.broadcast %max3A_50 : f32 to vector<1000x128xf32>
    %max3A_52 = arith.maximumf %add3A_49, %max3A_51 : vector<1000x128xf32>
    %get3A_53 = arith.constant 0 : index
    %get3A_54 = arith.constant 0 : index
    %get3A_55 = vector.load %arg4[%get3A_53, %get3A_54] : memref<256x128xf32, #tpu.memory_space<vmem>>, vector<128x128xf32>
    %dot_general3A = arith.constant dense<0.000000e+00> : vector<1000x128xf32>
    %dot_general3A_56 = tpu.matmul %max3A_28, %get3A_55, %dot_general3A {dimension_numbers = #tpu.dot_dimension_numbers<[1], [0], [0], [1], [0, 0, 1, 1], [], []>, precision = #tpu.contract_precision<fp32>, transpose_lhs_hint = false} : vector<1000x128xf32>, vector<128x128xf32>, vector<1000x128xf32> -> vector<1000x128xf32>
    %get3A_57 = arith.constant 128 : index
    %get3A_58 = arith.constant 0 : index
    %get3A_59 = vector.load %arg4[%get3A_57, %get3A_58] : memref<256x128xf32, #tpu.memory_space<vmem>>, vector<128x128xf32>
    %dot_general3A_60 = arith.constant dense<0.000000e+00> : vector<1000x128xf32>
    %dot_general3A_61 = tpu.matmul %max3A_52, %get3A_59, %dot_general3A_60 {dimension_numbers = #tpu.dot_dimension_numbers<[1], [0], [0], [1], [0, 0, 1, 1], [], []>, precision = #tpu.contract_precision<fp32>, transpose_lhs_hint = false} : vector<1000x128xf32>, vector<128x128xf32>, vector<1000x128xf32> -> vector<1000x128xf32>
    %add3A_62 = arith.addf %dot_general3A_56, %dot_general3A_61 : vector<1000x128xf32>
    %broadcast_in_dim3A_63 = vector.shape_cast %rsqrt3A : vector<1000xf32> to vector<1000x1xf32>
    %mul3A_64 = vector.broadcast %broadcast_in_dim3A_63 : vector<1000x1xf32> to vector<1000x128xf32>
    %mul3A_65 = arith.mulf %add3A_62, %mul3A_64 : vector<1000x128xf32>
    %swap3A = arith.constant 0 : index
    %swap3A_66 = arith.constant 0 : index
    %swap3A_67 = vector.load %arg6[%swap3A, %swap3A_66] : memref<1000x128xf32, #tpu.memory_space<vmem>>, vector<1000x128xf32>
    tpu.vector_store %arg6[%swap3A, %swap3A_66], %mul3A_65 {strides = array<i32>} : memref<1000x128xf32, #tpu.memory_space<vmem>>, vector<1000x128xf32>,
    return
  }
  func.func @transform_0(%arg0: i32) -> (i32, i32, i32) {
    %c0_i32 = arith.constant 0 : i32
    %c0_i32_0 = arith.constant 0 : i32
    %c0_i32_1 = arith.constant 0 : i32
    return %c0_i32, %arg0, %c0_i32_0 : i32, i32, i32
  }
  func.func @transform_1(%arg0: i32) -> (i32, i32, i32) {
    %c0_i32 = arith.constant 0 : i32
    %c0_i32_0 = arith.constant 0 : i32
    %c0_i32_1 = arith.constant 0 : i32
    return %c0_i32, %arg0, %c0_i32_0 : i32, i32, i32
  }
  func.func @transform_2(%arg0: i32) -> (i32, i32, i32) {
    %c0_i32 = arith.constant 0 : i32
    %c0_i32_0 = arith.constant 0 : i32
    %c0_i32_1 = arith.constant 0 : i32
    return %c0_i32, %arg0, %c0_i32_0 : i32, i32, i32
  }
  func.func @transform_3(%arg0: i32) -> (i32, i32) {
    %c0_i32 = arith.constant 0 : i32
    %c0_i32_0 = arith.constant 0 : i32
    %c0_i32_1 = arith.constant 0 : i32
    return %c0_i32, %c0_i32_0 : i32, i32
  }
  func.func @transform_4(%arg0: i32) -> (i32, i32) {
    %c0_i32 = arith.constant 0 : i32
    %c0_i32_0 = arith.constant 0 : i32
    %c0_i32_1 = arith.constant 0 : i32
    return %c0_i32, %c0_i32_0 : i32, i32
  }
  func.func @transform_5(%arg0: i32) -> (i32, i32) {
    %c0_i32 = arith.constant 0 : i32
    %c0_i32_0 = arith.constant 0 : i32
    return %arg0, %c0_i32 : i32, i32
  }
}

module attributes {stable_mosaic.version = 14 : i64} {
  func.func @_post_body(%arg0: i32, %arg1: memref<2x1000x128xf32, #tpu.memory_space<vmem>>, %arg2: memref<1000x128xf32, #tpu.memory_space<vmem>>, %arg3: memref<2x1000x128xf32, #tpu.memory_space<vmem>>, %arg4: memref<1x128xf32, #tpu.memory_space<vmem>>, %arg5: memref<1000x128xf32, #tpu.memory_space<vmem>>) attributes {dimension_semantics = [#tpu.dimension_semantics<arbitrary>], iteration_bounds = array<i64: 10>, scalar_prefetch = 0 : i64, scratch_operands = 0 : i64, tpu.core_type = #tpu.core_type<tc>, window_params = [{transform_indices = @transform_0, window_bounds = array<i64: 2, 1000, 128>}, {transform_indices = @transform_1, window_bounds = array<i64: 1000, 128>}, {transform_indices = @transform_2, window_bounds = array<i64: 2, 1000, 128>}, {pipeline_mode = #tpu.pipeline_mode<synchronous>, transform_indices = @transform_3, window_bounds = array<i64: 1, 128>}, {transform_indices = @transform_4, window_bounds = array<i64: 1000, 128>}]} {
    %get3A = arith.constant 0 : index
    %get3A_0 = arith.constant 0 : index
    %get3A_1 = arith.constant 0 : index
    %get3A_2 = vector.load %arg3[%get3A, %get3A_0, %get3A_1] : memref<2x1000x128xf32, #tpu.memory_space<vmem>>, vector<2x1000x128xf32>
    %slice3A = vector.extract_strided_slice %get3A_2 {offsets = [0, 0, 0], sizes = [1, 1000, 1], strides = [1, 1, 1]} : vector<2x1000x128xf32> to vector<1x1000x1xf32>
    %squeeze3A = vector.shape_cast %slice3A : vector<1x1000x1xf32> to vector<1000xf32>
    %add3A = arith.constant 1.000000e+00 : f32
    %add3A_3 = vector.broadcast %add3A : f32 to vector<1000xf32>
    %add3A_4 = arith.addf %add3A_3, %squeeze3A : vector<1000xf32>
    %slice3A_5 = vector.extract_strided_slice %get3A_2 {offsets = [1, 0, 0], sizes = [1, 1000, 1], strides = [1, 1, 1]} : vector<2x1000x128xf32> to vector<1x1000x1xf32>
    %squeeze3A_6 = vector.shape_cast %slice3A_5 : vector<1x1000x1xf32> to vector<1000xf32>
    %add3A_7 = arith.addf %add3A_4, %squeeze3A_6 : vector<1000xf32>
    %rsqrt3A = math.rsqrt %add3A_7 : vector<1000xf32>
    %get3A_8 = arith.constant 0 : index
    %get3A_9 = arith.constant 0 : index
    %get3A_10 = arith.constant 0 : index
    %get3A_11 = vector.load %arg1[%get3A_8, %get3A_9, %get3A_10] : memref<2x1000x128xf32, #tpu.memory_space<vmem>>, vector<1x1000x128xf32>
    %get3A_12 = vector.shape_cast %get3A_11 : vector<1x1000x128xf32> to vector<1000x128xf32>
    %get3A_13 = arith.constant 1 : index
    %get3A_14 = arith.constant 0 : index
    %get3A_15 = arith.constant 0 : index
    %get3A_16 = vector.load %arg1[%get3A_13, %get3A_14, %get3A_15] : memref<2x1000x128xf32, #tpu.memory_space<vmem>>, vector<1x1000x128xf32>
    %get3A_17 = vector.shape_cast %get3A_16 : vector<1x1000x128xf32> to vector<1000x128xf32>
    %add3A_18 = arith.addf %get3A_12, %get3A_17 : vector<1000x128xf32>
    %get3A_19 = arith.constant 0 : index
    %get3A_20 = arith.constant 0 : index
    %get3A_21 = vector.load %arg2[%get3A_19, %get3A_20] : memref<1000x128xf32, #tpu.memory_space<vmem>>, vector<1000x128xf32>
    %add3A_22 = arith.addf %add3A_18, %get3A_21 : vector<1000x128xf32>
    %broadcast_in_dim3A = vector.shape_cast %rsqrt3A : vector<1000xf32> to vector<1000x1xf32>
    %mul3A = vector.broadcast %broadcast_in_dim3A : vector<1000x1xf32> to vector<1000x128xf32>
    %mul3A_23 = arith.mulf %mul3A, %add3A_22 : vector<1000x128xf32>
    %get3A_24 = arith.constant 0 : index
    %get3A_25 = arith.constant 0 : index
    %get3A_26 = vector.load %arg4[%get3A_24, %get3A_25] : memref<1x128xf32, #tpu.memory_space<vmem>>, vector<1x128xf32>
    %get3A_27 = vector.shape_cast %get3A_26 : vector<1x128xf32> to vector<128xf32>
    %broadcast_in_dim3A_28 = vector.shape_cast %get3A_27 : vector<128xf32> to vector<1x128xf32>
    %add3A_29 = vector.broadcast %broadcast_in_dim3A_28 : vector<1x128xf32> to vector<1000x128xf32>
    %add3A_30 = arith.addf %mul3A_23, %add3A_29 : vector<1000x128xf32>
    %swap3A = arith.constant 0 : index
    %swap3A_31 = arith.constant 0 : index
    %swap3A_32 = vector.load %arg5[%swap3A, %swap3A_31] : memref<1000x128xf32, #tpu.memory_space<vmem>>, vector<1000x128xf32>
    tpu.vector_store %arg5[%swap3A, %swap3A_31], %add3A_30 {strides = array<i32>} : memref<1000x128xf32, #tpu.memory_space<vmem>>, vector<1000x128xf32>,
    return
  }
  func.func @transform_0(%arg0: i32) -> (i32, i32, i32) {
    %c0_i32 = arith.constant 0 : i32
    %c0_i32_0 = arith.constant 0 : i32
    %c0_i32_1 = arith.constant 0 : i32
    return %c0_i32, %arg0, %c0_i32_0 : i32, i32, i32
  }
  func.func @transform_1(%arg0: i32) -> (i32, i32) {
    %c0_i32 = arith.constant 0 : i32
    %c0_i32_0 = arith.constant 0 : i32
    return %arg0, %c0_i32 : i32, i32
  }
  func.func @transform_2(%arg0: i32) -> (i32, i32, i32) {
    %c0_i32 = arith.constant 0 : i32
    %c0_i32_0 = arith.constant 0 : i32
    %c0_i32_1 = arith.constant 0 : i32
    return %c0_i32, %arg0, %c0_i32_0 : i32, i32, i32
  }
  func.func @transform_3(%arg0: i32) -> (i32, i32) {
    %c0_i32 = arith.constant 0 : i32
    %c0_i32_0 = arith.constant 0 : i32
    %c0_i32_1 = arith.constant 0 : i32
    return %c0_i32, %c0_i32_0 : i32, i32
  }
  func.func @transform_4(%arg0: i32) -> (i32, i32) {
    %c0_i32 = arith.constant 0 : i32
    %c0_i32_0 = arith.constant 0 : i32
    return %arg0, %c0_i32 : i32, i32
  }
}

</mosaic_0001>

<sc_bundles>
// kernel: kernel.12.cloned.1.call-start
scs
__scs_entry_jumppad:
0x0: {  	(pc) =	sbr.rel $0x88, $3  }
0x1: {  	(tag) =	ssettag $0x0;
	lr =	simm.s32 $0x1  }
0x2: {  	[smem:$0x3F9B] =	sst lr;
	_ =	strace $0xD0000000  }
0x3: {  	_ = 	snop  }
0x4: {  	_ = 	snop  }
0x5: {  	_ = 	snop  }
0x6: {  	_ = 	snop  }
0x7: {  	_ = 	snop  }
__scs_overlays_trampoline_lowered:
0x8: {  	[smem:$0x3FAA] =	sst s0  }
0x9: {  	[smem:$0x3FAB] =	sst s1  }
0xa: {  	[smem:$0x3FAC] =	sst s2  }
0xb: {  	[smem:$0x3FAD] =	sst s3  }
0xc: {  	[smem:$0x3FAE] =	sst s4  }
0xd: {  	[smem:$0x3FAF] =	sst s5  }
0xe: {  	[smem:$0x3FB0] =	sst s6  }
0xf: {  	[smem:$0x3FB1] =	sst s7  }
0x10: {  	[smem:$0x3FB2] =	sst s8  }
0x11: {  	[smem:$0x3FB3] =	sst s9;
	s0 =	simm.s32 @!p0 $0x0  }
0x12: {  	s1 =	sld [smem:$0x3F99];
	s0 =	simm.s32 @p0 $0x1  }
0x13: {  	[smem:$0x3FB4] =	sst s0;
	s0 =	simm.s32 @!p1 $0x0  }
0x14: {  	s2 =	sld [smem:$0x3F98];
	s0 =	simm.s32 @p1 $0x1  }
0x15: {  	[smem:$0x3FB5] =	sst s0;
	s0 =	simm.s32 @!p2 $0x0  }
0x16: {  	s3 =	sld [smem:$0x3FDB];
	s0 =	simm.s32 @p2 $0x1  }
0x17: {  	s4 =	simm.s32 $0x1BF5;
	[smem:$0x3FB7] =	sst s0  }
0x18: {  	s0 =	sld [smem:$0x3F9A];
	_ =	swait.ge [sflag:s4], $0x0  }
0x19: {  	s7 =	sld [smem:$0x3F9B]  }
0x1a: {  	s8 =	sadd.s32 $0xFFFFE003, lr  }
0x1b: {  	s9 =	sadd.s32 $0xFFFFFEF7, lr;
	s5 =	simm.s32 $0xFFFFFFFF;
	p2 =	slt.u32 s8, $0xFFFFF086  }
0x1c: {  	p1 =	slt.u32 s9, $0xF7A;
	s5 =	simm.s32 @!p2 $0x0  }
0x1d: {  	s5 =	simm.s32 @p1 $0x1;
	p0 =	seq.s32 s7, s2  }
0x1e: {  	s7 =	smul.u32 @!p0 $0xF7A, s2;
	p2 =	seq.s32 @!p0 s5, $0x0  }
0x1f: {  	s9 =	smul.u32 $0xF7A, s1;
	s8 =	simm.s32 @!p0 $0x1BF5;
	p2 =	por !p2, p0  }
0x20: {  	[sflag:s8] =	ssyncset.s32 @!p0 $0xFFFFF086;
	s6 =	sadd.s32 @!p0 s3, s7;
	s7 =	simm.s32 @!p0 $0x108  }
0x21: {  	s3 =	sadd.s32 s3, s9;
	s6 =	sadd.s32 @!p0 $0x88, s6;
	s7 =	simm.s32 @p2 $0x1082  }
0x22: {  	[simem:s7], [sflag:s8] =	dma.local @!p0 [hbm:s6], $0xF7A  }
0x23: {  	s9 =	sor.u32 $0xD0000000, s2;
	s6 =	simm.s32 $0x108;
	_ =	swait.ge @!p0 [sflag:s8], $0x0  }
0x24: {  	s3 =	sadd.s32 $0x88, s3;
	s6 =	simm.s32 @!p1 $0x1082;
	[sflag:s4] =	ssyncset.s32 $0xFFFFF086  }
0x25: {  	[simem:s6], [sflag:s4] =	dma.local [hbm:s3], $0xF7A  }
0x26: {  	[smem:$0x3F9B] =	sst s1;
	(tag) =	ssettag s2;
	_ =	strace s9  }
0x27: {  	s1 =	sld [smem:$0x3FAB]  }
0x28: {  	s2 =	sld [smem:$0x3FAC]  }
0x29: {  	s4 =	sld [smem:$0x3FAE]  }
0x2a: {  	p0 =	seq.s32 s5, $0x0;
	s5 =	sld [smem:$0x3FAF]  }
0x2b: {  	s6 =	sld [smem:$0x3FB0]  }
0x2c: {  	s7 =	sld [smem:$0x3FB1]  }
0x2d: {  	s3 =	simm.s32 $0x108;
	s8 =	sld [smem:$0x3FB2]  }
0x2e: {  	s3 =	simm.s32 @!p0 $0x1082;
	s9 =	sld [smem:$0x3FB3]  }
0x2f: {  	lr =	sadd.s32 s0, s3;
	s0 =	sld [smem:$0x3FAA]  }
0x30: {  	s3 =	sld [smem:$0x3FAD]  }
0x31: {  	[smem:$0x3FB6] =	sst s10  }
0x32: {  	s10 =	sld [smem:$0x3FB4];
	_ =	sdelay $0x3  }
0x33: {  	p0 =	seq.s32 s10, $0x1;
	s10 =	sld [smem:$0x3FB6];
	_ =	sdelay $0x3  }
0x34: {  	[smem:$0x3FB6] =	sst s10  }
0x35: {  	s10 =	sld [smem:$0x3FB5];
	_ =	sdelay $0x3  }
0x36: {  	p1 =	seq.s32 s10, $0x1;
	s10 =	sld [smem:$0x3FB6];
	_ =	sdelay $0x3  }
0x37: {  	[smem:$0x3FB6] =	sst s10  }
0x38: {  	s10 =	sld [smem:$0x3FB7]  }
0x39: {  	_ = 	snop;
	(pc) =	sbr.ind lr, $3  }
0x3a: {  	_ = 	snop  }
0x3b: {  	_ = 	snop  }
0x3c: {  	p2 =	seq.s32 s10, $0x1;
	s10 =	sld [smem:$0x3FB6]  }
0x3d: {  	_ =	shalt  }
0x3e: {  	_ =	shalt  }
0x3f: {  	_ =	shalt  }
0x40: {  	_ =	shalt  }
0x41: {  	_ =	shalt  }
0x42: {  	_ =	shalt  }
0x43: {  	_ =	shalt  }
0x44: {  	_ =	shalt  }
0x45: {  	_ =	shalt  }
0x46: {  	_ =	shalt  }
0x47: {  	_ =	shalt  }
0x48: {  	_ =	shalt  }
0x49: {  	_ =	shalt  }
0x4a: {  	_ =	shalt  }
0x4b: {  	_ =	shalt  }
0x4c: {  	_ =	shalt  }
0x4d: {  	_ =	shalt  }
0x4e: {  	_ =	shalt  }
0x4f: {  	_ =	shalt  }
0x50: {  	_ =	shalt  }
0x51: {  	_ =	shalt  }
0x52: {  	_ =	shalt  }
0x53: {  	_ =	shalt  }
0x54: {  	_ =	shalt  }
0x55: {  	_ =	shalt  }
0x56: {  	_ =	shalt  }
0x57: {  	_ =	shalt  }
0x58: {  	_ =	shalt  }
0x59: {  	_ =	shalt  }
0x5a: {  	_ =	shalt  }
0x5b: {  	_ =	shalt  }
0x5c: {  	_ =	shalt  }
0x5d: {  	_ =	shalt  }
0x5e: {  	_ =	shalt  }
0x5f: {  	_ =	shalt  }
0x60: {  	_ =	shalt  }
0x61: {  	_ =	shalt  }
0x62: {  	_ =	shalt  }
0x63: {  	_ =	shalt  }
0x64: {  	_ =	shalt  }
0x65: {  	_ =	shalt  }
0x66: {  	_ =	shalt  }
0x67: {  	_ =	shalt  }
0x68: {  	_ =	shalt  }
0x69: {  	_ =	shalt  }
0x6a: {  	_ =	shalt  }
0x6b: {  	_ =	shalt  }
0x6c: {  	_ =	shalt  }
0x6d: {  	_ =	shalt  }
0x6e: {  	_ =	shalt  }
0x6f: {  	_ =	shalt  }
0x70: {  	_ =	shalt  }
0x71: {  	_ =	shalt  }
0x72: {  	_ =	shalt  }
0x73: {  	_ =	shalt  }
0x74: {  	_ =	shalt  }
0x75: {  	_ =	shalt  }
0x76: {  	_ =	shalt  }
0x77: {  	_ =	shalt  }
0x78: {  	_ =	shalt  }
0x79: {  	_ =	shalt  }
0x7a: {  	_ =	shalt  }
0x7b: {  	_ =	shalt  }
0x7c: {  	_ =	shalt  }
0x7d: {  	_ =	shalt  }
0x7e: {  	_ =	shalt  }
0x7f: {  	_ =	shalt  }
0x80: {  	_ =	shalt  }
0x81: {  	_ =	shalt  }
0x82: {  	_ =	shalt  }
0x83: {  	_ =	shalt  }
0x84: {  	_ =	shalt  }
0x85: {  	_ =	shalt  }
0x86: {  	_ =	shalt  }
0x87: {  	_ =	shalt  }
.Lfunc_end0:
.L_simem_size_0:
called_computation.1_lowered:
.L_overlay_start_0:
0x88: {  	s2 =	sld [smem:$0x3FD9]  }
0x89: {  	s3 =	sld [smem:$0x3FFE];
	_ =	sdelay $0x1  }
0x8a: {  	s1 =	srdreg.scid  }
0x8b: {  	s0 =	sand.u32 $0x1, s1  }
0x8c: {  	s16 =	sshll.u32 s0, $0xA;
	s2 =	sadd.s32 s3, s2  }
0x8d: {  	s2 =	sadd.s32 s2, s16  }
0x8e: {  	[smem:$0x3FC2] =	sst s2  }
0x8f: {  	_ = 	snop  }
0x90: {  	(tm) =	ssettm $0x1  }
0x91: {  	s17 =	sld [smem:$0x3FFB];
	_ =	sdelay $0x3  }
0x92: {  	_ =	strace s17  }
0x93: {  	s2 =	sld [smem:$0x3FFC];
	_ =	sdelay $0x3  }
0x94: {  	_ =	strace s2  }
0x95: {  	s2 =	sld [smem:$0x3FFD];
	_ =	sdelay $0x3  }
0x96: {  	_ =	strace s2  }
0x97: {  	_ =	strace $0x8FFFFFFF  }
0x98: {  	s18 =	sld [smem:$0x3FDB];
	_ =	sdelay $0x1  }
0x99: {  	s19 =	simm.s32 $_scs_section_size  }
0x9a: {  	s4 =	simm.s32 $_size__tile_overlayer_lowered;
	s5 =	simm.s32 $_tile_overlayer_lowered  }
0x9b: {  	s22 =	simm.s32 $0x1BFF;
	s21 =	sshll.u32 s5, $0x1;
	s2 =	sadd.s32 s19, s18  }
0x9c: {  	s6 =	simm.s32 $0x0;
	s20 =	sshll.u32 s4, $0x1;
	s4 =	sadd.s32 s21, s2  }
0x9d: {  	[timem:s6], [sflag:s22] =	dma.local [hbm:s4], s20  }
0x9e: {  	_ =	swait.ge [sflag:s22], s20  }
0x9f: {  	s3 =	ssub.s32 $0x0, s20;
	[sflag:s22] =	ssyncset.done $0x0  }
0xa0: {  	[sflag:s22] =	ssyncadd.s32 s3;
	_ =	sdelay $0x1  }
0xa1: {  	s23 =	simm.s32 $0x1B8B  }
0xa2: {  	_ =	swait.ge [sflag:s23], $0x1  }
0xa3: {  	[sflag:s23] =	ssyncset.done $0x0  }
0xa4: {  	s25 =	simm.s32 $0x1B8E;
	s24 =	sld [smem:$0x3FFE];
	[sflag:s23] =	ssyncadd.s32 $0xFFFFFFFF  }
0xa5: {  	s26 =	simm.s32 $execute0_lowered;
	[smem:$0x3FD2] =	sst s25  }
0xa6: {  	s4 =	sshll.u32 s26, $0x1;
	_ =	strace $0x80000049;
	[dreg:$0x1] =	wrdreg $0xFFFFFFFF  }
0xa7: {  	s28 =	simm.s32 $_size_execute0_lowered;
	s2 =	sadd.s32 s2, s4;
	[dreg:$0x0] =	wrdreg $0x0  }
0xa8: {  	s4 =	sshll.u32 s28, $0x1;
	[dreg:$0x2] =	wrdreg s2  }
0xa9: {  	[dreg:$0x3] =	wrdreg s4  }
0xaa: {  	[dreg:$0x4] =	wrdreg $0xC0  }
0xab: {  	_ =	task [dreg:s6], $0x5FFFF  }
0xac: {  	[dreg:$0x1] =	wrdreg $0xFFFFFFFF  }
0xad: {  	[dreg:$0x0] =	wrdreg $0x60  }
0xae: {  	[dreg:$0x2] =	wrdreg s24  }
0xaf: {  	[dreg:$0x3] =	wrdreg $0x42000  }
0xb0: {  	[dreg:$0x4] =	wrdreg $0x9  }
0xb1: {  	_ =	task.clear_ibuf [dreg:s6], $0x5FFFF;
	_ =	strace $0x90000049  }
0xb2: {  	s29 =	simm.s32 $0x9;
	_ =	strace $0x8000004B  }
0xb3: {  	_ =	swait.ge [sflag:s29], $0x1  }
0xb4: {  	[sflag:s29] =	ssyncadd.s32 $0xFFFFFFFF  }
0xb5: {  	_ =	strace $0x9000004B  }
0xb6: {  	_ =	sfence  }
0xb7: {  	s30 =	sld [smem:$0x0];
	_ =	sdelay $0x2  }
0xb8: {  	s31 =	sshll.u32 s1, $0xD;
	s1 =	sshrl.u32 s1, $0x2  }
0xb9: {  	s3 =	sand.u32 $0x4000, s31;
	s1 =	sadd.s32 s1, s30  }
0xba: {  	s0 =	sor.u32 s3, s0;
	s1 =	sshll.u32 s1, $0x11  }
0xbb: {  	s0 =	sor.u32 s1, s0  }
0xbc: {  	s0 =	sadd.s32 $0x8F2B, s0  }
0xbd: {  	[sflag:s0] =	ssyncadd.remote.s32 $0x1  }
0xbe: {  	_ =	sfence.sel $0xFFFF  }
0xbf: {  	[dreg:$0x0] =	wrdreg $0xFFFFFFFF;
	(pc) =	sbr.abs _section_cstart, $3  }
0xc0: {  	[dreg:$0x1] =	wrdreg $0xFFFFFFFF  }
0xc1: {  	_ =	task.clear_ibuf [dreg:s6], $0x2FFFF;
	_ =	strace $0x9FFFFFFF  }
0xc2: {  	(tm) =	ssettm $0x7FFFFFFF  }
0xc3: {  	_ =	shalt  }
tec
execute0_lowered:
.L_overlay_start_1:
0x0: {  	(tag) =	ssettag $0x1  }
0x1: {  	s6 =	rddreg [dreg:$0x0]  }
0x2: {  	s1 =	rddreg [dreg:$0x1]  }
0x3: {  	s0 =	rddreg [dreg:$0x2];
	s2 =	simm.s32 $0x0  }
0x4: {  	s5 =	srdreg.scid;
	s3 =	stileid.u32;
	s19 =	simm.s32 $0x200  }
0x5: {  	s20 =	simm.s32 $0x1;
	s22 =	simm.s32 $0x20;
	s23 =	simm.s32 $0x0  }
0x6: {  	[smem:$0x7FF] =	sst s2;
	s4 =	sadd.s32 $0x66E00, s6;
	s8 =	smul.u32 $0x4E20, s3  }
0x7: {  	s13 =	sadd.s32 $0x2000, s6;
	s12 =	sadd.s32 $0xBE00, s6;
	s10 =	smul.u32 $0x4E000, s3  }
0x8: {  	s7 =	sand.u32 $0x1, s5;
	s5 =	sadd.s32 $0x16400, s6;
	s30 =	smul.u32 $0x13800, s3  }
0x9: {  	s11 =	sadd.s32 $0xB5000, s6;
	s29 =	sshll.u32 s3, $0x6;
	s18 =	smul.u32 $0x9C4, s3  }
0xa: {  	s16 =	sadd.s32 $0x138000, s1;
	p0 =	sne.s32 s3, $0xF;
	s21 =	smul.u32 $0x2710, s7  }
0xb: {  	_ =	strace $0x8000004A;
	s9 =	ssub.s32 $0x2, s7;
	s28 =	smul.u32 $0x138800, s7  }
0xc: {  	s6 =	sor.u32 $0x1C02, s29;
	s16 =	sshrl.u32 @!p0 s16, $0x3;
	s25 =	sshrl.u32 s9, $0x1  }
0xd: {  	s26 =	sshrl.u32 s10, $0x2;
	s8 =	sshrl.u32 s8, $0x3;
	s14 =	ssub.s32 s9, s25  }
0xe: {  	s15 =	sadd.s32 s26, s1;
	s8 =	sadd.s32 $0x9C0, s8;
	s10 =	sadd.s32 s30, s28  }
0xf: {  	s17 =	sshrl.u32 s28, $0x3;
	v0 =	vmov s21;
	s21 =	simm.s32 $0x180;
	s7 =	sadd.s32 s13, s8  }
0x10: {  	s10 =	sshrl.u32 s10, $0x3;
	s8 =	sadd.s32 s12, s8;
	s31 =	sadd.s32 s11, s17  }
0x11: {  	s12 =	sadd.s32 s18, s12;
	s13 =	sadd.s32 s18, s13;
	s17 =	simm.s32 $0x100  }
0x12: {  	s18 =	simm.s32 $0x80;
	s9 =	sadd.s32 s11, s10;
	s10 =	sadd.s32 $0x27000, s31  }
0x13: {  	s11 =	smax.u32 s14, $0x1;
	s14 =	sshrl.u32 s15, $0x3;
	s15 =	simm.s32 $0x2  }
.LBB2_1:
0x14: {  	[spmem:s14], [sflag:s6] =	dma.local [hbm:s5], $0x2700  }
0x15: {  	_ =	swait.ge [sflag:s15], $0x2700  }
0x16: {  	[sflag:s15] =	ssyncset.done $0x0  }
0x17: {  	s24 =	simm.s32 @!p0 $0x2;
	[sflag:s15] =	ssyncadd.s32 $0xFFFFD900  }
0x18: {  	[spmem:s16], [sflag:s6] =	dma.local @!p0 [hbm:s5], $0x100  }
0x19: {  	_ =	swait.ge @!p0 [sflag:s24], $0x100  }
0x1a: {  	[sflag:s24] =	ssyncset.done @!p0 $0x0  }
0x1b: {  	[sflag:s24] =	ssyncadd.s32 @!p0 $0xFFFFFF00  }
0x1c: {  	s30 =	sadd.s32 $0x0, s13;
	[bflag:$0x0] =	sbarrier.arrive $0xFFFF  }
0x1d: {  	[tilespmem:s2], [sflag:$0x2] =	stream.linear.gather [hbm4b:s30+s2], $0x80, $0x38;
	[tilespmem:$0x17A80] =	vst v63  }
0x1e: {  	_ =	swait.ge [sflag:s15], $0x80  }
0x1f: {  	[sflag:s15] =	ssyncset.done $0x0  }
0x20: {  	s31 =	sadd.s32 $0x0, s12;
	[sflag:s15] =	ssyncadd.s32 $0xFFFFFF80  }
0x21: {  	[tilespmem:s17], [sflag:$0x2] =	stream.linear.gather [hbm4b:s31+s2], $0x80, $0x38;
	[tilespmem:$0x17A80] =	vst v63  }
0x22: {  	_ =	swait.ge [sflag:s15], $0x80  }
0x23: {  	[sflag:s15] =	ssyncset.done $0x0  }
0x24: {  	[sflag:s15] =	ssyncadd.s32 $0xFFFFFF80  }
0x25: {  	v1 =	vld [tilespmem:$0x70]  }
0x26: {  	v2 =	vld [tilespmem:$0x30]  }
0x27: {  	v3 =	vld [tilespmem:$0x50]  }
0x28: {  	v5 =	vld [tilespmem:$0x20]  }
0x29: {  	v4 =	vld [tilespmem:$0x60]  }
0x2a: {  	v6 =	vld [tilespmem:$0x10];
	v1 =	vadd.s32 v0, v1  }
0x2b: {  	v7 =	vld [tilespmem:$0x40];
	v2 =	vadd.s32 v0, v2;
	[tilespmem:$0x70] =	vst v1  }
0x2c: {  	v1 =	vld [tilespmem:$0x0];
	[tilespmem:$0x30] =	vst v2;
	v2 =	vadd.s32 v0, v3  }
0x2d: {  	v3 =	vadd.s32 v0, v5;
	[tilespmem:$0x50] =	vst v2  }
0x2e: {  	v2 =	vadd.s32 v0, v4;
	[tilespmem:$0x20] =	vst v3  }
0x2f: {  	[tilespmem:$0x60] =	vst v2;
	v2 =	vadd.s32 v0, v6  }
0x30: {  	[tilespmem:$0x10] =	vst v2;
	v2 =	vadd.s32 v0, v7  }
0x31: {  	[tilespmem:$0x40] =	vst v2;
	v1 =	vadd.s32 v0, v1  }
0x32: {  	s24 =	simm.s32 $0x10;
	[tilespmem:$0x0] =	vst v1  }
.LBB2_2:
0x33: {  	[tilespmem:s19], [sflag:$0x1] =	stream.indirect.gather [hbm4b:s4+s18], $0x80, s2, s18, $0xb8;
	[tilespmem:$0x17A80] =	vst v63  }
0x34: {  	s25 =	smov.u32 s24  }
0x35: {  	p1 =	sne.s32 s24, $0x9B0;
	s24 =	sadd.s32 $0x10, s24;
	_ =	swait.ge [sflag:s20], $0x4000  }
0x36: {  	[sflag:s20] =	ssyncset.done $0x0  }
0x37: {  	[sflag:s20] =	ssyncadd.s32 $0xFFFFC000  }
0x38: {  	[spmem:s1] =	stream.indirect.scatter.add.f32 [tilespmem:s19], [sflag:$0x2], $0x80, s17, s18, $0xb8;
	[tilespmem:$0x17A80] =	vst v63  }
0x39: {  	_ =	swait.ge [sflag:s15], $0x4000  }
0x3a: {  	[sflag:s15] =	ssyncset.done $0x0  }
0x3b: {  	s26 =	sadd.s32 s25, s13;
	[sflag:s15] =	ssyncadd.s32 $0xFFFFC000  }
0x3c: {  	[tilespmem:s2], [sflag:$0x2] =	stream.linear.gather [hbm4b:s26+s2], $0x80, $0x38;
	[tilespmem:$0x17A80] =	vst v63  }
0x3d: {  	_ =	swait.ge [sflag:s15], $0x80  }
0x3e: {  	[sflag:s15] =	ssyncset.done $0x0  }
0x3f: {  	s25 =	sadd.s32 s25, s12;
	[sflag:s15] =	ssyncadd.s32 $0xFFFFFF80  }
0x40: {  	[tilespmem:s17], [sflag:$0x2] =	stream.linear.gather [hbm4b:s25+s2], $0x80, $0x38;
	[tilespmem:$0x17A80] =	vst v63  }
0x41: {  	_ =	swait.ge [sflag:s15], $0x80  }
0x42: {  	[sflag:s15] =	ssyncset.done $0x0  }
0x43: {  	[sflag:s15] =	ssyncadd.s32 $0xFFFFFF80  }
0x44: {  	v1 =	vld [tilespmem:$0x70]  }
0x45: {  	v2 =	vld [tilespmem:$0x30]  }
0x46: {  	v3 =	vld [tilespmem:$0x50]  }
0x47: {  	v4 =	vld [tilespmem:$0x60]  }
0x48: {  	v5 =	vld [tilespmem:$0x20]  }
0x49: {  	v6 =	vld [tilespmem:$0x10];
	v1 =	vadd.s32 v0, v1  }
0x4a: {  	v2 =	vadd.s32 v0, v2;
	v7 =	vld [tilespmem:$0x40];
	[tilespmem:$0x70] =	vst v1  }
0x4b: {  	v1 =	vld [tilespmem:$0x0];
	[tilespmem:$0x30] =	vst v2;
	v2 =	vadd.s32 v0, v3  }
0x4c: {  	[tilespmem:$0x50] =	vst v2;
	v2 =	vadd.s32 v0, v4  }
.Ltmp0:
0x4d: {  	v3 =	vadd.s32 v0, v5;
	[tilespmem:$0x60] =	vst v2;
	(pc) =	sbr.rel @p1 .LBB2_2-.Ltmp0, $4  }
0x4e: {  	v2 =	vadd.s32 v0, v6;
	[tilespmem:$0x20] =	vst v3  }
0x4f: {  	[tilespmem:$0x10] =	vst v2;
	v2 =	vadd.s32 v0, v7  }
0x50: {  	v1 =	vadd.s32 v0, v1;
	[tilespmem:$0x40] =	vst v2  }
0x51: {  	[tilespmem:$0x0] =	vst v1  }
0x52: {  	[tilespmem:s19], [sflag:$0x1] =	stream.indirect.gather [hbm4b:s4+s18], $0x80, s2, s18, $0xb8;
	[tilespmem:$0x17A80] =	vst v63  }
0x53: {  	_ =	swait.ge [sflag:s20], $0x4000  }
0x54: {  	[sflag:s20] =	ssyncset.done $0x0  }
0x55: {  	[sflag:s20] =	ssyncadd.s32 $0xFFFFC000  }
0x56: {  	[spmem:s1] =	stream.indirect.scatter.add.f32 [tilespmem:s19], [sflag:$0x2], $0x80, s17, s18, $0xb8;
	[tilespmem:$0x17A80] =	vst v63  }
0x57: {  	_ =	swait.ge [sflag:s15], $0x4000  }
0x58: {  	[sflag:s15] =	ssyncset.done $0x0  }
0x59: {  	[sflag:s15] =	ssyncadd.s32 $0xFFFFC000  }
0x5a: {  	[tilespmem:s18], [sflag:$0x2] =	stream.linear.gather [hbm4b:s7+s2], $0x20, $0x38;
	[tilespmem:$0x17A80] =	vst v63  }
0x5b: {  	_ =	swait.ge [sflag:s15], $0x20  }
0x5c: {  	[sflag:s15] =	ssyncset.done $0x0  }
0x5d: {  	[sflag:s15] =	ssyncadd.s32 $0xFFFFFFE0  }
0x5e: {  	[tilespmem:s21], [sflag:$0x2] =	stream.linear.gather [hbm4b:s8+s2], $0x20, $0x38;
	[tilespmem:$0x17A80] =	vst v63  }
0x5f: {  	_ =	swait.ge [sflag:s15], $0x20  }
0x60: {  	[sflag:s15] =	ssyncset.done $0x0  }
0x61: {  	[sflag:s15] =	ssyncadd.s32 $0xFFFFFFE0  }
0x62: {  	v1 =	vld [tilespmem:$0x80]  }
0x63: {  	v2 =	vld [tilespmem:$0x90];
	_ =	sdelay $0x3  }
0x64: {  	v1 =	vadd.s32 v0, v1  }
0x65: {  	[tilespmem:$0x80] =	vst v1;
	v1 =	vadd.s32 v0, v2  }
0x66: {  	[tilespmem:$0x90] =	vst v1  }
0x67: {  	[tilespmem:s19], [sflag:$0x1] =	stream.indirect.gather [hbm4b:s4+s22], $0x80, s18, s22, $0xb8;
	[tilespmem:$0x17A80] =	vst v63  }
0x68: {  	_ =	swait.ge [sflag:s20], $0x1000  }
0x69: {  	[sflag:s20] =	ssyncset.done $0x0  }
0x6a: {  	[sflag:s20] =	ssyncadd.s32 $0xFFFFF000  }
0x6b: {  	[spmem:s1] =	stream.indirect.scatter.add.f32 [tilespmem:s19], [sflag:$0x2], $0x80, s21, s22, $0xb8;
	[tilespmem:$0x17A80] =	vst v63  }
0x6c: {  	_ =	swait.ge [sflag:s15], $0x1000  }
0x6d: {  	[sflag:s15] =	ssyncset.done $0x0  }
0x6e: {  	[sflag:s15] =	ssyncadd.s32 $0xFFFFF000  }
0x6f: {  	[bflag:$0x0] =	sbarrier.arrive $0xFFFF  }
0x70: {  	[hbm:s9], [sflag:s6] =	dma.local [spmem:s14], $0x2700  }
0x71: {  	s23 =	sadd.s32 $0x1, s23;
	_ =	swait.ge [sflag:s15], $0x2700  }
0x72: {  	p1 =	sne.s32 s23, s11;
	[sflag:s15] =	ssyncset.done $0x0  }
.Ltmp1:
0x73: {  	s24 =	simm.s32 @!p0 $0x2;
	[sflag:s15] =	ssyncadd.s32 $0xFFFFD900;
	(pc) =	sbr.rel @p1 .LBB2_1-.Ltmp1, $4  }
0x74: {  	[hbm:s10], [sflag:s6] =	dma.local @!p0 [spmem:s16], $0x100  }
0x75: {  	_ =	swait.ge @!p0 [sflag:s24], $0x100  }
0x76: {  	[sflag:s24] =	ssyncset.done @!p0 $0x0  }
0x77: {  	[sflag:s24] =	ssyncadd.s32 @!p0 $0xFFFFFF00  }
0x78: {  	_ =	sfence.sel $0x180000  }
0x79: {  	[bflag:$0x0] =	sbarrier.arrive $0xFFFF  }
0x7a: {  	p0 =	sne.s32 s3, $0x0;
	_ =	strace $0x9000004A  }
0x7b: {  	s0 =	sadd.s32 @!p0 $0x100000, s0;
	[bflag:$0x2] =	sbarrier.arrive $0xFFFF  }
0x7c: {  	[sflag:s0] =	ssyncadd.tile.s32 @!p0 $0x1;
	_ =	shalt  }
.Lfunc_end2:
_tile_overlayer_lowered:
.L_overlay_start_2:
0x7d: {  	(tag) =	ssettag $0x2  }
0x7e: {  	s0 =	rddreg [dreg:$0x0];
	s2 =	stileid.u32  }
0x7f: {  	s1 =	rddreg [dreg:$0x1];
	p0 =	sne.s32 s2, $0x0  }
0x80: {  	s3 =	rddreg [dreg:$0x2];
	[bflag:$0x3] =	sbarrier.arrive $0xFFFF;
	s2 =	simm.s32 @!p0 $0x1C02  }
0x81: {  	[timem:s3], [sflag:s2] =	dma.local @!p0 [hbm:s0], s1  }
0x82: {  	s0 =	simm.s32 @!p0 $0x2  }
0x83: {  	_ =	swait.ge @!p0 [sflag:s0], s1  }
0x84: {  	s1 =	ssub.s32 @!p0 $0x0, s1;
	[sflag:s0] =	ssyncset.done @!p0 $0x0  }
0x85: {  	[sflag:s0] =	ssyncadd.s32 @!p0 s1  }
0x86: {  	[bflag:$0x3] =	sbarrier.arrive $0xFFFF  }
0x87: {  	_ =	shalt  }

// kernel: kernel.15.cloned.1.call-start
scs
__scs_entry_jumppad:
0x0: {  	(pc) =	sbr.rel $0x88, $3  }
0x1: {  	(tag) =	ssettag $0x0;
	lr =	simm.s32 $0x1  }
0x2: {  	[smem:$0x3F9B] =	sst lr;
	_ =	strace $0xD0000000  }
0x3: {  	_ = 	snop  }
0x4: {  	_ = 	snop  }
0x5: {  	_ = 	snop  }
0x6: {  	_ = 	snop  }
0x7: {  	_ = 	snop  }
__scs_overlays_trampoline_lowered:
0x8: {  	[smem:$0x3FAA] =	sst s0  }
0x9: {  	[smem:$0x3FAB] =	sst s1  }
0xa: {  	[smem:$0x3FAC] =	sst s2  }
0xb: {  	[smem:$0x3FAD] =	sst s3  }
0xc: {  	[smem:$0x3FAE] =	sst s4  }
0xd: {  	[smem:$0x3FAF] =	sst s5  }
0xe: {  	[smem:$0x3FB0] =	sst s6  }
0xf: {  	[smem:$0x3FB1] =	sst s7  }
0x10: {  	[smem:$0x3FB2] =	sst s8  }
0x11: {  	[smem:$0x3FB3] =	sst s9;
	s0 =	simm.s32 @!p0 $0x0  }
0x12: {  	s1 =	sld [smem:$0x3F99];
	s0 =	simm.s32 @p0 $0x1  }
0x13: {  	[smem:$0x3FB4] =	sst s0;
	s0 =	simm.s32 @!p1 $0x0  }
0x14: {  	s2 =	sld [smem:$0x3F98];
	s0 =	simm.s32 @p1 $0x1  }
0x15: {  	[smem:$0x3FB5] =	sst s0;
	s0 =	simm.s32 @!p2 $0x0  }
0x16: {  	s3 =	sld [smem:$0x3FDB];
	s0 =	simm.s32 @p2 $0x1  }
0x17: {  	s4 =	simm.s32 $0x1BF5;
	[smem:$0x3FB7] =	sst s0  }
0x18: {  	s0 =	sld [smem:$0x3F9A];
	_ =	swait.ge [sflag:s4], $0x0  }
0x19: {  	s7 =	sld [smem:$0x3F9B]  }
0x1a: {  	s8 =	sadd.s32 $0xFFFFE003, lr  }
0x1b: {  	s9 =	sadd.s32 $0xFFFFFEF7, lr;
	s5 =	simm.s32 $0xFFFFFFFF;
	p2 =	slt.u32 s8, $0xFFFFF086  }
0x1c: {  	p1 =	slt.u32 s9, $0xF7A;
	s5 =	simm.s32 @!p2 $0x0  }
0x1d: {  	s5 =	simm.s32 @p1 $0x1;
	p0 =	seq.s32 s7, s2  }
0x1e: {  	s7 =	smul.u32 @!p0 $0xF7A, s2;
	p2 =	seq.s32 @!p0 s5, $0x0  }
0x1f: {  	s9 =	smul.u32 $0xF7A, s1;
	s8 =	simm.s32 @!p0 $0x1BF5;
	p2 =	por !p2, p0  }
0x20: {  	[sflag:s8] =	ssyncset.s32 @!p0 $0xFFFFF086;
	s6 =	sadd.s32 @!p0 s3, s7;
	s7 =	simm.s32 @!p0 $0x108  }
0x21: {  	s3 =	sadd.s32 s3, s9;
	s6 =	sadd.s32 @!p0 $0x88, s6;
	s7 =	simm.s32 @p2 $0x1082  }
0x22: {  	[simem:s7], [sflag:s8] =	dma.local @!p0 [hbm:s6], $0xF7A  }
0x23: {  	s9 =	sor.u32 $0xD0000000, s2;
	s6 =	simm.s32 $0x108;
	_ =	swait.ge @!p0 [sflag:s8], $0x0  }
0x24: {  	s3 =	sadd.s32 $0x88, s3;
	s6 =	simm.s32 @!p1 $0x1082;
	[sflag:s4] =	ssyncset.s32 $0xFFFFF086  }
0x25: {  	[simem:s6], [sflag:s4] =	dma.local [hbm:s3], $0xF7A  }
0x26: {  	[smem:$0x3F9B] =	sst s1;
	(tag) =	ssettag s2;
	_ =	strace s9  }
0x27: {  	s1 =	sld [smem:$0x3FAB]  }
0x28: {  	s2 =	sld [smem:$0x3FAC]  }
0x29: {  	s4 =	sld [smem:$0x3FAE]  }
0x2a: {  	p0 =	seq.s32 s5, $0x0;
	s5 =	sld [smem:$0x3FAF]  }
0x2b: {  	s6 =	sld [smem:$0x3FB0]  }
0x2c: {  	s7 =	sld [smem:$0x3FB1]  }
0x2d: {  	s3 =	simm.s32 $0x108;
	s8 =	sld [smem:$0x3FB2]  }
0x2e: {  	s3 =	simm.s32 @!p0 $0x1082;
	s9 =	sld [smem:$0x3FB3]  }
0x2f: {  	lr =	sadd.s32 s0, s3;
	s0 =	sld [smem:$0x3FAA]  }
0x30: {  	s3 =	sld [smem:$0x3FAD]  }
0x31: {  	[smem:$0x3FB6] =	sst s10  }
0x32: {  	s10 =	sld [smem:$0x3FB4];
	_ =	sdelay $0x3  }
0x33: {  	p0 =	seq.s32 s10, $0x1;
	s10 =	sld [smem:$0x3FB6];
	_ =	sdelay $0x3  }
0x34: {  	[smem:$0x3FB6] =	sst s10  }
0x35: {  	s10 =	sld [smem:$0x3FB5];
	_ =	sdelay $0x3  }
0x36: {  	p1 =	seq.s32 s10, $0x1;
	s10 =	sld [smem:$0x3FB6];
	_ =	sdelay $0x3  }
0x37: {  	[smem:$0x3FB6] =	sst s10  }
0x38: {  	s10 =	sld [smem:$0x3FB7]  }
0x39: {  	_ = 	snop;
	(pc) =	sbr.ind lr, $3  }
0x3a: {  	_ = 	snop  }
0x3b: {  	_ = 	snop  }
0x3c: {  	p2 =	seq.s32 s10, $0x1;
	s10 =	sld [smem:$0x3FB6]  }
0x3d: {  	_ =	shalt  }
0x3e: {  	_ =	shalt  }
0x3f: {  	_ =	shalt  }
0x40: {  	_ =	shalt  }
0x41: {  	_ =	shalt  }
0x42: {  	_ =	shalt  }
0x43: {  	_ =	shalt  }
0x44: {  	_ =	shalt  }
0x45: {  	_ =	shalt  }
0x46: {  	_ =	shalt  }
0x47: {  	_ =	shalt  }
0x48: {  	_ =	shalt  }
0x49: {  	_ =	shalt  }
0x4a: {  	_ =	shalt  }
0x4b: {  	_ =	shalt  }
0x4c: {  	_ =	shalt  }
0x4d: {  	_ =	shalt  }
0x4e: {  	_ =	shalt  }
0x4f: {  	_ =	shalt  }
0x50: {  	_ =	shalt  }
0x51: {  	_ =	shalt  }
0x52: {  	_ =	shalt  }
0x53: {  	_ =	shalt  }
0x54: {  	_ =	shalt  }
0x55: {  	_ =	shalt  }
0x56: {  	_ =	shalt  }
0x57: {  	_ =	shalt  }
0x58: {  	_ =	shalt  }
0x59: {  	_ =	shalt  }
0x5a: {  	_ =	shalt  }
0x5b: {  	_ =	shalt  }
0x5c: {  	_ =	shalt  }
0x5d: {  	_ =	shalt  }
0x5e: {  	_ =	shalt  }
0x5f: {  	_ =	shalt  }
0x60: {  	_ =	shalt  }
0x61: {  	_ =	shalt  }
0x62: {  	_ =	shalt  }
0x63: {  	_ =	shalt  }
0x64: {  	_ =	shalt  }
0x65: {  	_ =	shalt  }
0x66: {  	_ =	shalt  }
0x67: {  	_ =	shalt  }
0x68: {  	_ =	shalt  }
0x69: {  	_ =	shalt  }
0x6a: {  	_ =	shalt  }
0x6b: {  	_ =	shalt  }
0x6c: {  	_ =	shalt  }
0x6d: {  	_ =	shalt  }
0x6e: {  	_ =	shalt  }
0x6f: {  	_ =	shalt  }
0x70: {  	_ =	shalt  }
0x71: {  	_ =	shalt  }
0x72: {  	_ =	shalt  }
0x73: {  	_ =	shalt  }
0x74: {  	_ =	shalt  }
0x75: {  	_ =	shalt  }
0x76: {  	_ =	shalt  }
0x77: {  	_ =	shalt  }
0x78: {  	_ =	shalt  }
0x79: {  	_ =	shalt  }
0x7a: {  	_ =	shalt  }
0x7b: {  	_ =	shalt  }
0x7c: {  	_ =	shalt  }
0x7d: {  	_ =	shalt  }
0x7e: {  	_ =	shalt  }
0x7f: {  	_ =	shalt  }
0x80: {  	_ =	shalt  }
0x81: {  	_ =	shalt  }
0x82: {  	_ =	shalt  }
0x83: {  	_ =	shalt  }
0x84: {  	_ =	shalt  }
0x85: {  	_ =	shalt  }
0x86: {  	_ =	shalt  }
0x87: {  	_ =	shalt  }
.Lfunc_end0:
.L_simem_size_0:
called_computation.2_lowered:
.L_overlay_start_0:
0x88: {  	s2 =	sld [smem:$0x3FD9]  }
0x89: {  	s3 =	sld [smem:$0x3FFE];
	_ =	sdelay $0x1  }
0x8a: {  	s1 =	srdreg.scid  }
0x8b: {  	s0 =	sand.u32 $0x1, s1  }
0x8c: {  	s17 =	sshll.u32 s0, $0xA;
	s2 =	sadd.s32 s3, s2  }
0x8d: {  	s2 =	sadd.s32 s2, s17  }
0x8e: {  	[smem:$0x3FC2] =	sst s2  }
0x8f: {  	_ = 	snop  }
0x90: {  	s2 =	sld [smem:$0x3FD0];
	(tm) =	ssettm $0x1  }
0x91: {  	s18 =	sld [smem:$0x3FFB];
	_ =	sdelay $0x3  }
0x92: {  	_ =	strace s18  }
0x93: {  	s3 =	sld [smem:$0x3FFC];
	_ =	sdelay $0x3  }
0x94: {  	_ =	strace s3  }
0x95: {  	s3 =	sld [smem:$0x3FFD];
	_ =	sdelay $0x3  }
0x96: {  	_ =	strace s3  }
0x97: {  	_ =	strace $0x8FFFFFFF  }
0x98: {  	s19 =	sld [smem:$0x3FDB];
	_ =	sdelay $0x1  }
0x99: {  	s4 =	simm.s32 $_scs_section_size  }
0x9a: {  	s5 =	simm.s32 $_size__tile_overlayer_lowered;
	s6 =	simm.s32 $_tile_overlayer_lowered  }
0x9b: {  	s22 =	simm.s32 $0x1BFF;
	s21 =	sshll.u32 s6, $0x1;
	s3 =	sadd.s32 s4, s19  }
0x9c: {  	s7 =	simm.s32 $0x0;
	s20 =	sshll.u32 s5, $0x1;
	s5 =	sadd.s32 s21, s3  }
0x9d: {  	[timem:s7], [sflag:s22] =	dma.local [hbm:s5], s20  }
0x9e: {  	_ =	swait.ge [sflag:s22], s20  }
0x9f: {  	s4 =	ssub.s32 $0x0, s20;
	[sflag:s22] =	ssyncset.done $0x0  }
0xa0: {  	[sflag:s22] =	ssyncadd.s32 s4;
	_ =	sdelay $0x1  }
0xa1: {  	s23 =	simm.s32 $0x1B8B  }
0xa2: {  	_ =	swait.ge [sflag:s23], $0x1  }
0xa3: {  	[sflag:s23] =	ssyncset.done $0x0  }
0xa4: {  	s25 =	simm.s32 $0x1B8E;
	s24 =	sld [smem:$0x3FFE];
	[sflag:s23] =	ssyncadd.s32 $0xFFFFFFFF  }
0xa5: {  	s26 =	simm.s32 $execute0_lowered;
	[smem:$0x3FD2] =	sst s25  }
0xa6: {  	s5 =	sshll.u32 s26, $0x1;
	_ =	strace $0x8000004C;
	[dreg:$0x1] =	wrdreg $0xFFFFFFFF  }
0xa7: {  	s28 =	simm.s32 $_size_execute0_lowered;
	s3 =	sadd.s32 s3, s5;
	[dreg:$0x0] =	wrdreg $0x0  }
0xa8: {  	s5 =	sshll.u32 s28, $0x1;
	[dreg:$0x2] =	wrdreg s3  }
0xa9: {  	[dreg:$0x3] =	wrdreg s5  }
0xaa: {  	[dreg:$0x4] =	wrdreg $0xC0  }
0xab: {  	_ =	task [dreg:s7], $0x5FFFF  }
0xac: {  	[dreg:$0x1] =	wrdreg $0xFFFFFFFF  }
0xad: {  	[dreg:$0x0] =	wrdreg $0x60  }
0xae: {  	[dreg:$0x2] =	wrdreg s2  }
0xaf: {  	[dreg:$0x3] =	wrdreg s24  }
0xb0: {  	[dreg:$0x4] =	wrdreg $0x42000  }
0xb1: {  	[dreg:$0x5] =	wrdreg $0x9  }
0xb2: {  	_ =	task.clear_ibuf [dreg:s7], $0x6FFFF;
	_ =	strace $0x9000004C  }
0xb3: {  	s29 =	simm.s32 $0x9;
	_ =	strace $0x8000004E  }
0xb4: {  	_ =	swait.ge [sflag:s29], $0x1  }
0xb5: {  	[sflag:s29] =	ssyncadd.s32 $0xFFFFFFFF  }
0xb6: {  	_ =	strace $0x9000004E  }
0xb7: {  	_ =	sfence  }
0xb8: {  	s30 =	sld [smem:$0x0];
	_ =	sdelay $0x2  }
0xb9: {  	s31 =	sshll.u32 s1, $0xD;
	s1 =	sshrl.u32 s1, $0x2  }
0xba: {  	s3 =	sand.u32 $0x4000, s31;
	s1 =	sadd.s32 s1, s30  }
0xbb: {  	s0 =	sor.u32 s3, s0;
	s1 =	sshll.u32 s1, $0x11  }
0xbc: {  	s0 =	sor.u32 s1, s0  }
0xbd: {  	s0 =	sadd.s32 $0x8F2B, s0  }
0xbe: {  	[sflag:s0] =	ssyncadd.remote.s32 $0x1  }
0xbf: {  	_ =	sfence.sel $0xFFFF  }
0xc0: {  	[dreg:$0x0] =	wrdreg $0xFFFFFFFF;
	(pc) =	sbr.abs _section_cstart, $3  }
0xc1: {  	[dreg:$0x1] =	wrdreg $0xFFFFFFFF  }
0xc2: {  	_ =	task.clear_ibuf [dreg:s7], $0x2FFFF;
	_ =	strace $0x9FFFFFFF  }
0xc3: {  	(tm) =	ssettm $0x7FFFFFFF  }
tec
execute0_lowered:
.L_overlay_start_1:
0x0: {  	(tag) =	ssettag $0x1  }
0x1: {  	s1 =	rddreg [dreg:$0x0]  }
0x2: {  	s6 =	rddreg [dreg:$0x1]  }
0x3: {  	s2 =	rddreg [dreg:$0x2]  }
0x4: {  	s0 =	rddreg [dreg:$0x3];
	s3 =	simm.s32 $0x0  }
0x5: {  	s4 =	srdreg.scid;
	s20 =	simm.s32 $0x1;
	s21 =	simm.s32 $0x180  }
0x6: {  	s22 =	simm.s32 $0x10;
	s23 =	simm.s32 $0x0;
	[smem:$0x7FF] =	sst s3  }
0x7: {  	s13 =	sadd.s32 $0x2000, s6;
	s7 =	sand.u32 $0x1, s4;
	s4 =	stileid.u32  }
0x8: {  	s12 =	sadd.s32 $0xBE00, s6;
	s5 =	sadd.s32 $0x16400, s6;
	s10 =	smul.u32 $0x4E000, s4  }
0x9: {  	s11 =	sadd.s32 $0x66E00, s6;
	s17 =	sadd.s32 $0x138000, s2;
	s28 =	smul.u32 $0x138800, s7  }
0xa: {  	_ =	strace $0x8000004D;
	s8 =	sshll.u32 s7, $0x4;
	s30 =	smul.u32 $0x13800, s4  }
0xb: {  	s9 =	ssub.s32 $0x2, s7;
	s29 =	sshll.u32 s4, $0x6;
	s16 =	smul.u32 $0x27100, s7  }
0xc: {  	s18 =	smul.u32 $0x2710, s4;
	p0 =	sne.s32 s4, $0xF;
	s8 =	sor.u32 s4, s8  }
0xd: {  	s25 =	sshrl.u32 s9, $0x1;
	s6 =	sor.u32 $0x1C02, s29;
	s8 =	smul.u32 $0x2710, s8  }
0xe: {  	s14 =	ssub.s32 s9, s25;
	s26 =	sshrl.u32 s10, $0x2;
	s10 =	sadd.s32 s30, s28  }
0xf: {  	s19 =	sshrl.u32 s28, $0x3;
	s16 =	sadd.s32 s18, s16;
	s18 =	simm.s32 $0x80  }
0x10: {  	s15 =	sadd.s32 s26, s2;
	s10 =	sshrl.u32 s10, $0x3;
	s31 =	sadd.s32 s11, s19  }
0x11: {  	s16 =	sshrl.u32 s16, $0x3;
	s19 =	simm.s32 $0x200;
	s8 =	sshrl.u32 s8, $0x3  }
0x12: {  	s9 =	sadd.s32 s11, s10;
	s10 =	sadd.s32 $0x27000, s31;
	s11 =	smax.u32 s14, $0x1  }
0x13: {  	s14 =	sshrl.u32 s15, $0x3;
	s15 =	simm.s32 $0x2;
	s8 =	sadd.s32 $0x4E0, s8  }
0x14: {  	s7 =	sadd.s32 s13, s8;
	s8 =	sadd.s32 s12, s8;
	s12 =	sadd.s32 s16, s12  }
0x15: {  	s13 =	sadd.s32 s16, s13;
	s16 =	sshrl.u32 @!p0 s17, $0x3;
	s17 =	simm.s32 $0x100  }
.LBB2_1:
0x16: {  	[spmem:s14], [sflag:s6] =	dma.local [hbm:s5], $0x2700  }
0x17: {  	_ =	swait.ge [sflag:s15], $0x2700  }
0x18: {  	[sflag:s15] =	ssyncset.done $0x0  }
0x19: {  	s24 =	simm.s32 @!p0 $0x2;
	[sflag:s15] =	ssyncadd.s32 $0xFFFFD900  }
0x1a: {  	[spmem:s16], [sflag:s6] =	dma.local @!p0 [hbm:s5], $0x100  }
0x1b: {  	_ =	swait.ge @!p0 [sflag:s24], $0x100  }
0x1c: {  	[sflag:s24] =	ssyncset.done @!p0 $0x0  }
0x1d: {  	[sflag:s24] =	ssyncadd.s32 @!p0 $0xFFFFFF00  }
0x1e: {  	s30 =	sadd.s32 $0x0, s13;
	[bflag:$0x0] =	sbarrier.arrive $0xFFFF  }
0x1f: {  	[tilespmem:s3], [sflag:$0x2] =	stream.linear.gather [hbm4b:s30+s3], $0x80, $0x38;
	[tilespmem:$0x17A80] =	vst v63  }
0x20: {  	_ =	swait.ge [sflag:s15], $0x80  }
0x21: {  	[sflag:s15] =	ssyncset.done $0x0  }
0x22: {  	s31 =	sadd.s32 $0x0, s12;
	[sflag:s15] =	ssyncadd.s32 $0xFFFFFF80  }
0x23: {  	[tilespmem:s17], [sflag:$0x2] =	stream.linear.gather [hbm4b:s31+s3], $0x80, $0x38;
	[tilespmem:$0x17A80] =	vst v63  }
0x24: {  	_ =	swait.ge [sflag:s15], $0x80  }
0x25: {  	[sflag:s15] =	ssyncset.done $0x0  }
0x26: {  	[sflag:s15] =	ssyncadd.s32 $0xFFFFFF80  }
0x27: {  	[tilespmem:s19], [sflag:$0x1] =	stream.indirect.gather [hbm4b:s1+s18], $0x80, s3, s18, $0xb8;
	[tilespmem:$0x17A80] =	vst v63  }
0x28: {  	_ =	swait.ge [sflag:s20], $0x4000  }
0x29: {  	[sflag:s20] =	ssyncset.done $0x0  }
0x2a: {  	[sflag:s20] =	ssyncadd.s32 $0xFFFFC000  }
0x2b: {  	[spmem:s2] =	stream.indirect.scatter.add.f32 [tilespmem:s19], [sflag:$0x2], $0x80, s17, s18, $0xb8;
	[tilespmem:$0x17A80] =	vst v63  }
0x2c: {  	_ =	swait.ge [sflag:s15], $0x4000  }
0x2d: {  	s25 =	simm.s32 $0x20;
	s24 =	simm.s32 $0x10;
	[sflag:s15] =	ssyncset.done $0x0  }
.LBB2_2:
0x2e: {  	s26 =	sadd.s32 s24, s13  }
0x2f: {  	[sflag:s15] =	ssyncadd.s32 $0xFFFFC000;
	s28 =	smov.u32 s25;
	s29 =	sadd.s32 $0x10, s25  }
0x30: {  	[tilespmem:s3], [sflag:$0x2] =	stream.linear.gather [hbm4b:s26+s3], $0x80, $0x38;
	[tilespmem:$0x17A80] =	vst v63  }
0x31: {  	p1 =	sne.s32 s25, $0x4D0;
	_ =	swait.ge [sflag:s15], $0x80  }
0x32: {  	[sflag:s15] =	ssyncset.done $0x0  }
0x33: {  	s25 =	sadd.s32 s24, s12;
	s24 =	smov.u32 s28;
	[sflag:s15] =	ssyncadd.s32 $0xFFFFFF80  }
0x34: {  	[tilespmem:s17], [sflag:$0x2] =	stream.linear.gather [hbm4b:s25+s3], $0x80, $0x38;
	[tilespmem:$0x17A80] =	vst v63  }
0x35: {  	_ =	swait.ge [sflag:s15], $0x80  }
0x36: {  	[sflag:s15] =	ssyncset.done $0x0  }
0x37: {  	[sflag:s15] =	ssyncadd.s32 $0xFFFFFF80  }
0x38: {  	[tilespmem:s19], [sflag:$0x1] =	stream.indirect.gather [hbm4b:s1+s18], $0x80, s3, s18, $0xb8;
	[tilespmem:$0x17A80] =	vst v63  }
0x39: {  	_ =	swait.ge [sflag:s20], $0x4000  }
.Ltmp0:
0x3a: {  	[sflag:s20] =	ssyncset.done $0x0;
	(pc) =	sbr.rel @p1 .LBB2_2-.Ltmp0, $4  }
0x3b: {  	[sflag:s20] =	ssyncadd.s32 $0xFFFFC000  }
0x3c: {  	[spmem:s2] =	stream.indirect.scatter.add.f32 [tilespmem:s19], [sflag:$0x2], $0x80, s17, s18, $0xb8;
	[tilespmem:$0x17A80] =	vst v63  }
0x3d: {  	_ =	swait.ge [sflag:s15], $0x4000  }
0x3e: {  	s25 =	smov.u32 s29;
	[sflag:s15] =	ssyncset.done $0x0  }
0x3f: {  	s25 =	sadd.s32 s24, s13;
	[sflag:s15] =	ssyncadd.s32 $0xFFFFC000  }
0x40: {  	[tilespmem:s3], [sflag:$0x2] =	stream.linear.gather [hbm4b:s25+s3], $0x80, $0x38;
	[tilespmem:$0x17A80] =	vst v63  }
0x41: {  	_ =	swait.ge [sflag:s15], $0x80  }
0x42: {  	[sflag:s15] =	ssyncset.done $0x0  }
0x43: {  	s31 =	sadd.s32 s24, s12;
	[sflag:s15] =	ssyncadd.s32 $0xFFFFFF80  }
0x44: {  	[tilespmem:s17], [sflag:$0x2] =	stream.linear.gather [hbm4b:s31+s3], $0x80, $0x38;
	[tilespmem:$0x17A80] =	vst v63  }
0x45: {  	_ =	swait.ge [sflag:s15], $0x80  }
0x46: {  	[sflag:s15] =	ssyncset.done $0x0  }
0x47: {  	[sflag:s15] =	ssyncadd.s32 $0xFFFFFF80  }
0x48: {  	[tilespmem:s19], [sflag:$0x1] =	stream.indirect.gather [hbm4b:s1+s18], $0x80, s3, s18, $0xb8;
	[tilespmem:$0x17A80] =	vst v63  }
0x49: {  	_ =	swait.ge [sflag:s20], $0x4000  }
0x4a: {  	[sflag:s20] =	ssyncset.done $0x0  }
0x4b: {  	[sflag:s20] =	ssyncadd.s32 $0xFFFFC000  }
0x4c: {  	[spmem:s2] =	stream.indirect.scatter.add.f32 [tilespmem:s19], [sflag:$0x2], $0x80, s17, s18, $0xb8;
	[tilespmem:$0x17A80] =	vst v63  }
0x4d: {  	_ =	swait.ge [sflag:s15], $0x4000  }
0x4e: {  	[sflag:s15] =	ssyncset.done $0x0  }
0x4f: {  	[sflag:s15] =	ssyncadd.s32 $0xFFFFC000  }
0x50: {  	[tilespmem:s18], [sflag:$0x2] =	stream.linear.gather [hbm4b:s7+s3], $0x10, $0x38;
	[tilespmem:$0x17A80] =	vst v63  }
0x51: {  	_ =	swait.ge [sflag:s15], $0x10  }
0x52: {  	[sflag:s15] =	ssyncset.done $0x0  }
0x53: {  	[sflag:s15] =	ssyncadd.s32 $0xFFFFFFF0  }
0x54: {  	[tilespmem:s21], [sflag:$0x2] =	stream.linear.gather [hbm4b:s8+s3], $0x10, $0x38;
	[tilespmem:$0x17A80] =	vst v63  }
0x55: {  	_ =	swait.ge [sflag:s15], $0x10  }
0x56: {  	[sflag:s15] =	ssyncset.done $0x0  }
0x57: {  	[sflag:s15] =	ssyncadd.s32 $0xFFFFFFF0  }
0x58: {  	[tilespmem:s19], [sflag:$0x1] =	stream.indirect.gather [hbm4b:s1+s22], $0x80, s18, s22, $0xb8;
	[tilespmem:$0x17A80] =	vst v63  }
0x59: {  	_ =	swait.ge [sflag:s20], $0x800  }
0x5a: {  	[sflag:s20] =	ssyncset.done $0x0  }
0x5b: {  	[sflag:s20] =	ssyncadd.s32 $0xFFFFF800  }
0x5c: {  	[spmem:s2] =	stream.indirect.scatter.add.f32 [tilespmem:s19], [sflag:$0x2], $0x80, s21, s22, $0xb8;
	[tilespmem:$0x17A80] =	vst v63  }
0x5d: {  	_ =	swait.ge [sflag:s15], $0x800  }
0x5e: {  	[sflag:s15] =	ssyncset.done $0x0  }
0x5f: {  	[sflag:s15] =	ssyncadd.s32 $0xFFFFF800  }
0x60: {  	[bflag:$0x0] =	sbarrier.arrive $0xFFFF  }
0x61: {  	[hbm:s9], [sflag:s6] =	dma.local [spmem:s14], $0x2700  }
0x62: {  	s23 =	sadd.s32 $0x1, s23;
	_ =	swait.ge [sflag:s15], $0x2700  }
0x63: {  	p1 =	sne.s32 s23, s11;
	[sflag:s15] =	ssyncset.done $0x0  }
.Ltmp1:
0x64: {  	s24 =	simm.s32 @!p0 $0x2;
	[sflag:s15] =	ssyncadd.s32 $0xFFFFD900;
	(pc) =	sbr.rel @p1 .LBB2_1-.Ltmp1, $4  }
0x65: {  	[hbm:s10], [sflag:s6] =	dma.local @!p0 [spmem:s16], $0x100  }
0x66: {  	_ =	swait.ge @!p0 [sflag:s24], $0x100  }
0x67: {  	[sflag:s24] =	ssyncset.done @!p0 $0x0  }
0x68: {  	[sflag:s24] =	ssyncadd.s32 @!p0 $0xFFFFFF00  }
0x69: {  	_ =	sfence.sel $0x180000  }
0x6a: {  	[bflag:$0x0] =	sbarrier.arrive $0xFFFF  }
0x6b: {  	p0 =	sne.s32 s4, $0x0;
	_ =	strace $0x9000004D  }
0x6c: {  	s0 =	sadd.s32 @!p0 $0x100000, s0;
	[bflag:$0x2] =	sbarrier.arrive $0xFFFF  }
0x6d: {  	[sflag:s0] =	ssyncadd.tile.s32 @!p0 $0x1;
	_ =	shalt  }
.Lfunc_end2:
_tile_overlayer_lowered:
.L_overlay_start_2:
0x6e: {  	(tag) =	ssettag $0x2  }
0x6f: {  	s0 =	rddreg [dreg:$0x0];
	s2 =	stileid.u32  }
0x70: {  	s1 =	rddreg [dreg:$0x1];
	p0 =	sne.s32 s2, $0x0  }
0x71: {  	s3 =	rddreg [dreg:$0x2];
	[bflag:$0x3] =	sbarrier.arrive $0xFFFF;
	s2 =	simm.s32 @!p0 $0x1C02  }
0x72: {  	[timem:s3], [sflag:s2] =	dma.local @!p0 [hbm:s0], s1  }
0x73: {  	s0 =	simm.s32 @!p0 $0x2  }
0x74: {  	_ =	swait.ge @!p0 [sflag:s0], s1  }
0x75: {  	s1 =	ssub.s32 @!p0 $0x0, s1;
	[sflag:s0] =	ssyncset.done @!p0 $0x0  }
0x76: {  	[sflag:s0] =	ssyncadd.s32 @!p0 s1  }
0x77: {  	[bflag:$0x3] =	sbarrier.arrive $0xFFFF  }
0x78: {  	_ =	shalt  }

// kernel: kernel.9.cloned.1.call-start
scs
__scs_entry_jumppad:
0x0: {  	(pc) =	sbr.rel $0x88, $3  }
0x1: {  	(tag) =	ssettag $0x0;
	lr =	simm.s32 $0x1  }
0x2: {  	[smem:$0x3F9B] =	sst lr;
	_ =	strace $0xD0000000  }
0x3: {  	_ = 	snop  }
0x4: {  	_ = 	snop  }
0x5: {  	_ = 	snop  }
0x6: {  	_ = 	snop  }
0x7: {  	_ = 	snop  }
__scs_overlays_trampoline_lowered:
0x8: {  	[smem:$0x3FAA] =	sst s0  }
0x9: {  	[smem:$0x3FAB] =	sst s1  }
0xa: {  	[smem:$0x3FAC] =	sst s2  }
0xb: {  	[smem:$0x3FAD] =	sst s3  }
0xc: {  	[smem:$0x3FAE] =	sst s4  }
0xd: {  	[smem:$0x3FAF] =	sst s5  }
0xe: {  	[smem:$0x3FB0] =	sst s6  }
0xf: {  	[smem:$0x3FB1] =	sst s7  }
0x10: {  	[smem:$0x3FB2] =	sst s8  }
0x11: {  	[smem:$0x3FB3] =	sst s9;
	s0 =	simm.s32 @!p0 $0x0  }
0x12: {  	s1 =	sld [smem:$0x3F99];
	s0 =	simm.s32 @p0 $0x1  }
0x13: {  	[smem:$0x3FB4] =	sst s0;
	s0 =	simm.s32 @!p1 $0x0  }
0x14: {  	s2 =	sld [smem:$0x3F98];
	s0 =	simm.s32 @p1 $0x1  }
0x15: {  	[smem:$0x3FB5] =	sst s0;
	s0 =	simm.s32 @!p2 $0x0  }
0x16: {  	s3 =	sld [smem:$0x3FDB];
	s0 =	simm.s32 @p2 $0x1  }
0x17: {  	s4 =	simm.s32 $0x1BF5;
	[smem:$0x3FB7] =	sst s0  }
0x18: {  	s0 =	sld [smem:$0x3F9A];
	_ =	swait.ge [sflag:s4], $0x0  }
0x19: {  	s7 =	sld [smem:$0x3F9B]  }
0x1a: {  	s8 =	sadd.s32 $0xFFFFE003, lr  }
0x1b: {  	s9 =	sadd.s32 $0xFFFFFEF7, lr;
	s5 =	simm.s32 $0xFFFFFFFF;
	p2 =	slt.u32 s8, $0xFFFFF086  }
0x1c: {  	p1 =	slt.u32 s9, $0xF7A;
	s5 =	simm.s32 @!p2 $0x0  }
0x1d: {  	s5 =	simm.s32 @p1 $0x1;
	p0 =	seq.s32 s7, s2  }
0x1e: {  	s7 =	smul.u32 @!p0 $0xF7A, s2;
	p2 =	seq.s32 @!p0 s5, $0x0  }
0x1f: {  	s9 =	smul.u32 $0xF7A, s1;
	s8 =	simm.s32 @!p0 $0x1BF5;
	p2 =	por !p2, p0  }
0x20: {  	[sflag:s8] =	ssyncset.s32 @!p0 $0xFFFFF086;
	s6 =	sadd.s32 @!p0 s3, s7;
	s7 =	simm.s32 @!p0 $0x108  }
0x21: {  	s3 =	sadd.s32 s3, s9;
	s6 =	sadd.s32 @!p0 $0x88, s6;
	s7 =	simm.s32 @p2 $0x1082  }
0x22: {  	[simem:s7], [sflag:s8] =	dma.local @!p0 [hbm:s6], $0xF7A  }
0x23: {  	s9 =	sor.u32 $0xD0000000, s2;
	s6 =	simm.s32 $0x108;
	_ =	swait.ge @!p0 [sflag:s8], $0x0  }
0x24: {  	s3 =	sadd.s32 $0x88, s3;
	s6 =	simm.s32 @!p1 $0x1082;
	[sflag:s4] =	ssyncset.s32 $0xFFFFF086  }
0x25: {  	[simem:s6], [sflag:s4] =	dma.local [hbm:s3], $0xF7A  }
0x26: {  	[smem:$0x3F9B] =	sst s1;
	(tag) =	ssettag s2;
	_ =	strace s9  }
0x27: {  	s1 =	sld [smem:$0x3FAB]  }
0x28: {  	s2 =	sld [smem:$0x3FAC]  }
0x29: {  	s4 =	sld [smem:$0x3FAE]  }
0x2a: {  	p0 =	seq.s32 s5, $0x0;
	s5 =	sld [smem:$0x3FAF]  }
0x2b: {  	s6 =	sld [smem:$0x3FB0]  }
0x2c: {  	s7 =	sld [smem:$0x3FB1]  }
0x2d: {  	s3 =	simm.s32 $0x108;
	s8 =	sld [smem:$0x3FB2]  }
0x2e: {  	s3 =	simm.s32 @!p0 $0x1082;
	s9 =	sld [smem:$0x3FB3]  }
0x2f: {  	lr =	sadd.s32 s0, s3;
	s0 =	sld [smem:$0x3FAA]  }
0x30: {  	s3 =	sld [smem:$0x3FAD]  }
0x31: {  	[smem:$0x3FB6] =	sst s10  }
0x32: {  	s10 =	sld [smem:$0x3FB4];
	_ =	sdelay $0x3  }
0x33: {  	p0 =	seq.s32 s10, $0x1;
	s10 =	sld [smem:$0x3FB6];
	_ =	sdelay $0x3  }
0x34: {  	[smem:$0x3FB6] =	sst s10  }
0x35: {  	s10 =	sld [smem:$0x3FB5];
	_ =	sdelay $0x3  }
0x36: {  	p1 =	seq.s32 s10, $0x1;
	s10 =	sld [smem:$0x3FB6];
	_ =	sdelay $0x3  }
0x37: {  	[smem:$0x3FB6] =	sst s10  }
0x38: {  	s10 =	sld [smem:$0x3FB7]  }
0x39: {  	_ = 	snop;
	(pc) =	sbr.ind lr, $3  }
0x3a: {  	_ = 	snop  }
0x3b: {  	_ = 	snop  }
0x3c: {  	p2 =	seq.s32 s10, $0x1;
	s10 =	sld [smem:$0x3FB6]  }
0x3d: {  	_ =	shalt  }
0x3e: {  	_ =	shalt  }
0x3f: {  	_ =	shalt  }
0x40: {  	_ =	shalt  }
0x41: {  	_ =	shalt  }
0x42: {  	_ =	shalt  }
0x43: {  	_ =	shalt  }
0x44: {  	_ =	shalt  }
0x45: {  	_ =	shalt  }
0x46: {  	_ =	shalt  }
0x47: {  	_ =	shalt  }
0x48: {  	_ =	shalt  }
0x49: {  	_ =	shalt  }
0x4a: {  	_ =	shalt  }
0x4b: {  	_ =	shalt  }
0x4c: {  	_ =	shalt  }
0x4d: {  	_ =	shalt  }
0x4e: {  	_ =	shalt  }
0x4f: {  	_ =	shalt  }
0x50: {  	_ =	shalt  }
0x51: {  	_ =	shalt  }
0x52: {  	_ =	shalt  }
0x53: {  	_ =	shalt  }
0x54: {  	_ =	shalt  }
0x55: {  	_ =	shalt  }
0x56: {  	_ =	shalt  }
0x57: {  	_ =	shalt  }
0x58: {  	_ =	shalt  }
0x59: {  	_ =	shalt  }
0x5a: {  	_ =	shalt  }
0x5b: {  	_ =	shalt  }
0x5c: {  	_ =	shalt  }
0x5d: {  	_ =	shalt  }
0x5e: {  	_ =	shalt  }
0x5f: {  	_ =	shalt  }
0x60: {  	_ =	shalt  }
0x61: {  	_ =	shalt  }
0x62: {  	_ =	shalt  }
0x63: {  	_ =	shalt  }
0x64: {  	_ =	shalt  }
0x65: {  	_ =	shalt  }
0x66: {  	_ =	shalt  }
0x67: {  	_ =	shalt  }
0x68: {  	_ =	shalt  }
0x69: {  	_ =	shalt  }
0x6a: {  	_ =	shalt  }
0x6b: {  	_ =	shalt  }
0x6c: {  	_ =	shalt  }
0x6d: {  	_ =	shalt  }
0x6e: {  	_ =	shalt  }
0x6f: {  	_ =	shalt  }
0x70: {  	_ =	shalt  }
0x71: {  	_ =	shalt  }
0x72: {  	_ =	shalt  }
0x73: {  	_ =	shalt  }
0x74: {  	_ =	shalt  }
0x75: {  	_ =	shalt  }
0x76: {  	_ =	shalt  }
0x77: {  	_ =	shalt  }
0x78: {  	_ =	shalt  }
0x79: {  	_ =	shalt  }
0x7a: {  	_ =	shalt  }
0x7b: {  	_ =	shalt  }
0x7c: {  	_ =	shalt  }
0x7d: {  	_ =	shalt  }
0x7e: {  	_ =	shalt  }
0x7f: {  	_ =	shalt  }
0x80: {  	_ =	shalt  }
0x81: {  	_ =	shalt  }
0x82: {  	_ =	shalt  }
0x83: {  	_ =	shalt  }
0x84: {  	_ =	shalt  }
0x85: {  	_ =	shalt  }
0x86: {  	_ =	shalt  }
0x87: {  	_ =	shalt  }
.Lfunc_end0:
.L_simem_size_0:
called_computation_lowered:
.L_overlay_start_0:
0x88: {  	s2 =	sld [smem:$0x3FD9]  }
0x89: {  	s3 =	sld [smem:$0x3FFE];
	_ =	sdelay $0x1  }
0x8a: {  	s1 =	srdreg.scid  }
0x8b: {  	s0 =	sand.u32 $0x1, s1  }
0x8c: {  	s17 =	sshll.u32 s0, $0xA;
	s2 =	sadd.s32 s3, s2  }
0x8d: {  	s2 =	sadd.s32 s2, s17  }
0x8e: {  	[smem:$0x3FC2] =	sst s2  }
0x8f: {  	_ = 	snop  }
0x90: {  	s2 =	sld [smem:$0x3FD0];
	(tm) =	ssettm $0x1  }
0x91: {  	s18 =	sld [smem:$0x3FFB];
	_ =	sdelay $0x3  }
0x92: {  	_ =	strace s18  }
0x93: {  	s3 =	sld [smem:$0x3FFC];
	_ =	sdelay $0x3  }
0x94: {  	_ =	strace s3  }
0x95: {  	s3 =	sld [smem:$0x3FFD];
	_ =	sdelay $0x3  }
0x96: {  	_ =	strace s3  }
0x97: {  	_ =	strace $0x8FFFFFFF  }
0x98: {  	s19 =	sld [smem:$0x3FDB];
	_ =	sdelay $0x1  }
0x99: {  	s4 =	simm.s32 $_scs_section_size  }
0x9a: {  	s5 =	simm.s32 $_size__tile_overlayer_lowered;
	s6 =	simm.s32 $_tile_overlayer_lowered  }
0x9b: {  	s22 =	simm.s32 $0x1BFF;
	s21 =	sshll.u32 s6, $0x1;
	s3 =	sadd.s32 s4, s19  }
0x9c: {  	s7 =	simm.s32 $0x0;
	s20 =	sshll.u32 s5, $0x1;
	s5 =	sadd.s32 s21, s3  }
0x9d: {  	[timem:s7], [sflag:s22] =	dma.local [hbm:s5], s20  }
0x9e: {  	_ =	swait.ge [sflag:s22], s20  }
0x9f: {  	s4 =	ssub.s32 $0x0, s20;
	[sflag:s22] =	ssyncset.done $0x0  }
0xa0: {  	[sflag:s22] =	ssyncadd.s32 s4;
	_ =	sdelay $0x1  }
0xa1: {  	s23 =	simm.s32 $0x1B8B  }
0xa2: {  	_ =	swait.ge [sflag:s23], $0x1  }
0xa3: {  	[sflag:s23] =	ssyncset.done $0x0  }
0xa4: {  	s25 =	simm.s32 $0x1B8E;
	s24 =	sld [smem:$0x3FFE];
	[sflag:s23] =	ssyncadd.s32 $0xFFFFFFFF  }
0xa5: {  	s26 =	simm.s32 $execute0_lowered;
	[smem:$0x3FD2] =	sst s25  }
0xa6: {  	s5 =	sshll.u32 s26, $0x1;
	_ =	strace $0x80000046;
	[dreg:$0x1] =	wrdreg $0xFFFFFFFF  }
0xa7: {  	s28 =	simm.s32 $_size_execute0_lowered;
	s3 =	sadd.s32 s3, s5;
	[dreg:$0x0] =	wrdreg $0x0  }
0xa8: {  	s5 =	sshll.u32 s28, $0x1;
	[dreg:$0x2] =	wrdreg s3  }
0xa9: {  	[dreg:$0x3] =	wrdreg s5  }
0xaa: {  	[dreg:$0x4] =	wrdreg $0xC0  }
0xab: {  	_ =	task [dreg:s7], $0x5FFFF  }
0xac: {  	[dreg:$0x1] =	wrdreg $0xFFFFFFFF  }
0xad: {  	[dreg:$0x0] =	wrdreg $0x60  }
0xae: {  	[dreg:$0x2] =	wrdreg s2  }
0xaf: {  	[dreg:$0x3] =	wrdreg s24  }
0xb0: {  	[dreg:$0x4] =	wrdreg $0x68000  }
0xb1: {  	[dreg:$0x5] =	wrdreg $0x9  }
0xb2: {  	_ =	task.clear_ibuf [dreg:s7], $0x6FFFF;
	_ =	strace $0x90000046  }
0xb3: {  	s29 =	simm.s32 $0x9;
	_ =	strace $0x80000048  }
0xb4: {  	_ =	swait.ge [sflag:s29], $0x1  }
0xb5: {  	[sflag:s29] =	ssyncadd.s32 $0xFFFFFFFF  }
0xb6: {  	_ =	strace $0x90000048  }
0xb7: {  	_ =	sfence  }
0xb8: {  	s30 =	sld [smem:$0x0];
	_ =	sdelay $0x2  }
0xb9: {  	s31 =	sshll.u32 s1, $0xD;
	s1 =	sshrl.u32 s1, $0x2  }
0xba: {  	s3 =	sand.u32 $0x4000, s31;
	s1 =	sadd.s32 s1, s30  }
0xbb: {  	s0 =	sor.u32 s3, s0;
	s1 =	sshll.u32 s1, $0x11  }
0xbc: {  	s0 =	sor.u32 s1, s0  }
0xbd: {  	s0 =	sadd.s32 $0x8F2B, s0  }
0xbe: {  	[sflag:s0] =	ssyncadd.remote.s32 $0x1  }
0xbf: {  	_ =	sfence.sel $0xFFFF  }
0xc0: {  	[dreg:$0x0] =	wrdreg $0xFFFFFFFF;
	(pc) =	sbr.abs _section_cstart, $3  }
0xc1: {  	[dreg:$0x1] =	wrdreg $0xFFFFFFFF  }
0xc2: {  	_ =	task.clear_ibuf [dreg:s7], $0x2FFFF;
	_ =	strace $0x9FFFFFFF  }
0xc3: {  	(tm) =	ssettm $0x7FFFFFFF  }
tec
execute0_lowered:
.L_overlay_start_1:
0x0: {  	(tag) =	ssettag $0x1  }
0x1: {  	s7 =	rddreg [dreg:$0x0]  }
0x2: {  	s6 =	rddreg [dreg:$0x1]  }
0x3: {  	s1 =	rddreg [dreg:$0x2]  }
0x4: {  	s0 =	rddreg [dreg:$0x3];
	s2 =	simm.s32 $0x0;
	s3 =	srdreg.scid  }
0x5: {  	s15 =	simm.s32 $0x80;
	s16 =	simm.s32 $0x0;
	[smem:$0x7FF] =	sst s2  }
0x6: {  	s8 =	sand.u32 $0x1, s3;
	s4 =	sadd.s32 $0x16400, s6;
	s3 =	stileid.u32  }
0x7: {  	s5 =	sadd.s32 $0x15C00, s6;
	s12 =	sadd.s32 $0x18C00, s6;
	s11 =	smul.u32 $0x4E000, s3  }
0x8: {  	_ =	strace $0x80000047;
	s9 =	ssub.s32 $0x2, s8;
	s25 =	smul.u32 $0x138800, s8  }
0x9: {  	s26 =	sshll.u32 s8, $0x4;
	s29 =	smul.u32 $0x13800, s3;
	s30 =	sshll.u32 s3, $0x6  }
0xa: {  	p0 =	sne.s32 s3, $0xF;
	s10 =	sshrl.u32 s9, $0x1;
	s13 =	sor.u32 s3, s26  }
0xb: {  	s6 =	sor.u32 $0x1C01, s30;
	s10 =	ssub.s32 s9, s10;
	s28 =	sshrl.u32 s11, $0x2  }
0xc: {  	s31 =	smul.u32 $0x500, s13;
	s11 =	sadd.s32 s29, s25;
	s13 =	sadd.s32 $0x138000, s1  }
0xd: {  	s9 =	sshrl.u32 s25, $0x3;
	s14 =	sadd.s32 s28, s1;
	s11 =	sshrl.u32 s11, $0x3  }
0xe: {  	s9 =	sadd.s32 s12, s9;
	s10 =	smax.u32 s10, $0x1;
	s13 =	sshrl.u32 @!p0 s13, $0x3  }
0xf: {  	s7 =	sadd.s32 s7, s31;
	s8 =	sadd.s32 s12, s11;
	s9 =	sadd.s32 $0x27000, s9  }
0x10: {  	s11 =	sshrl.u32 s14, $0x3;
	s12 =	simm.s32 $0x1;
	s14 =	simm.s32 $0x2800  }
.LBB2_1:
0x11: {  	[spmem:s11], [sflag:s6] =	dma.local [hbm:s4], $0x2700  }
0x12: {  	_ =	swait.ge [sflag:s12], $0x2700  }
0x13: {  	[sflag:s12] =	ssyncset.done $0x0  }
0x14: {  	s17 =	simm.s32 @!p0 $0x1;
	[sflag:s12] =	ssyncadd.s32 $0xFFFFD900  }
0x15: {  	[spmem:s13], [sflag:s6] =	dma.local @!p0 [hbm:s4], $0x180  }
0x16: {  	_ =	swait.ge @!p0 [sflag:s17], $0x180  }
0x17: {  	[sflag:s17] =	ssyncset.done @!p0 $0x0  }
0x18: {  	[sflag:s17] =	ssyncadd.s32 @!p0 $0xFFFFFE80  }
0x19: {  	[tilespmem:s14], [sflag:$0x1] =	stream.linear.gather [hbm4b:s5+s2], $0x4000, $0x38;
	[tilespmem:$0x1A0C0] =	vst v63  }
0x1a: {  	_ =	swait.ge [sflag:s12], $0x4000  }
0x1b: {  	[sflag:s12] =	ssyncset.done $0x0  }
0x1c: {  	[sflag:s12] =	ssyncadd.s32 $0xFFFFC000  }
0x1d: {  	[tilespmem:s2], [sflag:$0x1] =	stream.linear.gather [hbm4b:s7+s2], $0x2800, $0x38;
	[tilespmem:$0x1A0C0] =	vst v63  }
0x1e: {  	_ =	swait.ge [sflag:s12], $0x2800  }
0x1f: {  	[sflag:s12] =	ssyncset.done $0x0  }
0x20: {  	[sflag:s12] =	ssyncadd.s32 $0xFFFFD800  }
0x21: {  	s31 =	simm.s32 $0x0;
	[bflag:$0x0] =	sbarrier.arrive $0xFFFF  }
0x22: {  	[spmem:s1] =	stream.indirect.scatter.add.f32 [tilespmem:s14], [sflag:$0x1], $0x80, s31, s15, $0xb8;
	[tilespmem:$0x1A0C0] =	vst v63  }
0x23: {  	_ =	swait.ge [sflag:s12], $0x4000  }
0x24: {  	s17 =	simm.s32 $0x200;
	[sflag:s12] =	ssyncset.done $0x0  }
.LBB2_2:
0x25: {  	s18 =	sshra.s32 s17, $0x2;
	[sflag:s12] =	ssyncadd.s32 $0xFFFFC000;
	p1 =	sne.s32 s17, $0x9E00  }
0x26: {  	[spmem:s1] =	stream.indirect.scatter.add.f32 [tilespmem:s14], [sflag:$0x1], $0x80, s18, s15, $0xb8;
	[tilespmem:$0x1A0C0] =	vst v63  }
.Ltmp0:
0x27: {  	_ = 	snop;
	(pc) =	sbr.rel @p1 .LBB2_2-.Ltmp0, $4  }
0x28: {  	_ = 	snop  }
0x29: {  	s17 =	sadd.s32 $0x200, s17  }
0x2a: {  	_ =	swait.ge [sflag:s12], $0x4000  }
0x2b: {  	[sflag:s12] =	ssyncset.done $0x0  }
0x2c: {  	[sflag:s12] =	ssyncadd.s32 $0xFFFFC000  }
0x2d: {  	[bflag:$0x0] =	sbarrier.arrive $0xFFFF  }
0x2e: {  	[hbm:s8], [sflag:s6] =	dma.local [spmem:s11], $0x2700  }
0x2f: {  	s16 =	sadd.s32 $0x1, s16;
	_ =	swait.ge [sflag:s12], $0x2700  }
0x30: {  	p1 =	sne.s32 s16, s10;
	[sflag:s12] =	ssyncset.done $0x0  }
.Ltmp1:
0x31: {  	s17 =	simm.s32 @!p0 $0x1;
	[sflag:s12] =	ssyncadd.s32 $0xFFFFD900;
	(pc) =	sbr.rel @p1 .LBB2_1-.Ltmp1, $4  }
0x32: {  	[hbm:s9], [sflag:s6] =	dma.local @!p0 [spmem:s13], $0x100  }
0x33: {  	_ =	swait.ge @!p0 [sflag:s17], $0x100  }
0x34: {  	[sflag:s17] =	ssyncset.done @!p0 $0x0  }
0x35: {  	[sflag:s17] =	ssyncadd.s32 @!p0 $0xFFFFFF00  }
0x36: {  	_ =	sfence.sel $0x180000  }
0x37: {  	[bflag:$0x0] =	sbarrier.arrive $0xFFFF  }
0x38: {  	p0 =	sne.s32 s3, $0x0;
	_ =	strace $0x90000047  }
0x39: {  	s0 =	sadd.s32 @!p0 $0x100000, s0;
	[bflag:$0x2] =	sbarrier.arrive $0xFFFF  }
0x3a: {  	[sflag:s0] =	ssyncadd.tile.s32 @!p0 $0x1;
	_ =	shalt  }
.Lfunc_end2:
_tile_overlayer_lowered:
.L_overlay_start_2:
0x3b: {  	(tag) =	ssettag $0x2  }
0x3c: {  	s0 =	rddreg [dreg:$0x0];
	s2 =	stileid.u32  }
0x3d: {  	s1 =	rddreg [dreg:$0x1];
	p0 =	sne.s32 s2, $0x0  }
0x3e: {  	s3 =	rddreg [dreg:$0x2];
	[bflag:$0x3] =	sbarrier.arrive $0xFFFF;
	s2 =	simm.s32 @!p0 $0x1C01  }
0x3f: {  	[timem:s3], [sflag:s2] =	dma.local @!p0 [hbm:s0], s1  }
0x40: {  	s0 =	simm.s32 @!p0 $0x1  }
0x41: {  	_ =	swait.ge @!p0 [sflag:s0], s1  }
0x42: {  	s1 =	ssub.s32 @!p0 $0x0, s1;
	[sflag:s0] =	ssyncset.done @!p0 $0x0  }
0x43: {  	[sflag:s0] =	ssyncadd.s32 @!p0 s1  }
0x44: {  	[bflag:$0x3] =	sbarrier.arrive $0xFFFF  }
0x45: {  	_ =	shalt  }

</sc_bundles>
